<compile_context>
chip_gen: v7x
topology: tpu7x:2x2x1
jax: 0.10.2.dev20260603
libtpu: 0.0.44.dev20260713+nightly
codegen_flags: <defaults>
</compile_context>

<pallas_src>
import functools

import jax
import jax.numpy as jnp
from jax import lax
from jax.experimental import pallas as pl
from jax.experimental.pallas import tpu as pltpu
from jax.experimental.pallas import tpu_sc as plsc

G = 8
K = 8192
E = 64
BN = 4
T = 1024
NTOK = BN * T
CHUNK = 1024
NCH = K // CHUNK
NLOSS = float(NTOK * G * E)

SCL = 2.0 ** 50
ISCL = 2.0 ** -13
IINV = 2.0 ** 13

SC_CORES = 2
SC_SUBCORES = 16
NW = SC_CORES * SC_SUBCORES
IDX_CH = 128
CH_PER_W = (G * NTOK) // (NW * IDX_CH)

_CONTRACT_ET = (((0,), (1,)), ((), ()))


def _argmin_codes(xb, w_ref):
    ones_row = jnp.ones((1, E), jnp.float32)
    xsq = (xb * SCL) * xb
    a = lax.dot_general(xsq, ones_row, _CONTRACT_ET,
                        preferred_element_type=jnp.float32)
    best = jnp.full((T, 1), jnp.inf, jnp.float32)
    kbest = jnp.zeros((T, 1), jnp.float32)
    for c in range(NCH):
        wc = w_ref[0, c * CHUNK:(c + 1) * CHUNK, :]
        bsq = lax.dot_general(ones_row, (wc * SCL) * wc,
                              (((1,), (1,)), ((), ())),
                              preferred_element_type=jnp.float32)
        s2 = lax.dot_general(xb, (-2.0 * SCL) * wc, _CONTRACT_ET,
                             preferred_element_type=jnp.float32)
        dd = (a + bsq) + s2
        m = jnp.min(dd, axis=1, keepdims=True)
        iota_s = (lax.broadcasted_iota(jnp.int32, (1, CHUNK), 1)
                  .astype(jnp.float32) + float(c * CHUNK)) * ISCL
        cand = (dd - m) + iota_s
        kc = jnp.min(cand, axis=1, keepdims=True)
        upd = m < best
        kbest = jnp.where(upd, kc, kbest)
        best = jnp.where(upd, m, best)
    return (kbest * IINV).astype(jnp.int32)


def _tc1_body(x_ref, w_ref, idx_ref, gidx_ref):
    g = pl.program_id(0)
    xb = x_ref[0, 0, :, :]
    bidx = _argmin_codes(xb, w_ref)
    idx_ref[0, 0, :, :] = bidx
    gidx_ref[0, 0, :, :] = bidx + g * K


def _tc2_body(x_ref, zq_ref, w_ref, idx_ref, gidx_ref, q1_ref, s_ref):
    g = pl.program_id(0)
    b = pl.program_id(1)
    xb = x_ref[0, 0, :, :]
    zq = jnp.transpose(zq_ref[0, 0, :, :])
    diff = zq - xb
    q1 = xb + diff
    r = xb - q1

    @pl.when((g == 0) & (b == 0))
    def _init():
        s_ref[0, 0] = 0.0

    s_ref[0, 0] += jnp.sum(diff * diff)
    q1_ref[0, 0, :, :] = q1
    bidx = _argmin_codes(r, w_ref)
    idx_ref[0, 0, :, :] = bidx
    gidx_ref[0, 0, :, :] = bidx + g * K


def _tc3_body(x_ref, q1_ref, zq2_ref, qs_ref, s_ref):
    g = pl.program_id(0)
    b = pl.program_id(1)
    xb = x_ref[0, 0, :, :]
    q1 = q1_ref[0, 0, :, :]
    zq2 = jnp.transpose(zq2_ref[0, 0, :, :])
    r = xb - q1
    diff2 = zq2 - r
    q2 = r + diff2

    @pl.when((g == 0) & (b == 0))
    def _init():
        s_ref[0, 0] = 0.0

    s_ref[0, 0] += jnp.sum(diff2 * diff2)
    qs_ref[0, 0, :, :] = q1 + q2


_X_SPEC = pl.BlockSpec((1, 1, E, T), lambda g, b: (b, g, 0, 0))
_W_SPEC = pl.BlockSpec((1, K, E), lambda g, b: (g, 0, 0))
_ZQ_SPEC = pl.BlockSpec((1, 1, T, E), lambda g, b: (g, b, 0, 0))
_IDX_SPEC = pl.BlockSpec((1, 1, T, 1), lambda g, b: (g, b, 0, 0))
_Q_SPEC = pl.BlockSpec((1, 1, E, T), lambda g, b: (b, g, 0, 0))
_S_SPEC = pl.BlockSpec(memory_space=pltpu.SMEM, block_shape=(1, 1),
                       index_map=lambda g, b: (0, 0))

_IDX_TY = jax.ShapeDtypeStruct((G, BN, T, 1), jnp.int32)
_Q_TY = jax.ShapeDtypeStruct((BN, G, E, T), jnp.float32)
_S_TY = jax.ShapeDtypeStruct((1, 1), jnp.float32)


def _tc1(xg, w):
    return pl.pallas_call(
        _tc1_body,
        grid=(G, BN),
        in_specs=[_X_SPEC, _W_SPEC],
        out_specs=[_IDX_SPEC, _IDX_SPEC],
        out_shape=[_IDX_TY, _IDX_TY],
    )(xg, w)


def _tc2(xg, zq1, w2):
    return pl.pallas_call(
        _tc2_body,
        grid=(G, BN),
        in_specs=[_X_SPEC, _ZQ_SPEC, _W_SPEC],
        out_specs=[_IDX_SPEC, _IDX_SPEC, _Q_SPEC, _S_SPEC],
        out_shape=[_IDX_TY, _IDX_TY, _Q_TY, _S_TY],
    )(xg, zq1, w2)


def _tc3(xg, q1, zq2):
    return pl.pallas_call(
        _tc3_body,
        grid=(G, BN),
        in_specs=[_X_SPEC, _Q_SPEC, _ZQ_SPEC],
        out_specs=[_Q_SPEC, _S_SPEC],
        out_shape=[_Q_TY, _S_TY],
    )(xg, q1, zq2)


def _sc_gather_body(table_hbm, idx_hbm, out_hbm, idx_v, rows_v, sem):
    wid = lax.axis_index("s") * SC_CORES + lax.axis_index("c")
    base = wid * CH_PER_W
    pltpu.sync_copy(idx_hbm.at[pl.ds(base, CH_PER_W)], idx_v)
    copies = [
        pltpu.async_copy(table_hbm.at[idx_v.at[j]], rows_v.at[j], sem)
        for j in range(CH_PER_W)
    ]
    for cp in copies:
        cp.wait()
    pltpu.sync_copy(rows_v, out_hbm.at[pl.ds(base, CH_PER_W)])


def _sc_gather(table, gidx2d):
    call = pl.kernel(
        _sc_gather_body,
        out_type=jax.ShapeDtypeStruct((NW * CH_PER_W, IDX_CH, E), jnp.float32),
        mesh=plsc.VectorSubcoreMesh(core_axis_name="c", subcore_axis_name="s"),
        scratch_types=[
            pltpu.VMEM((CH_PER_W, IDX_CH), jnp.int32),
            pltpu.VMEM((CH_PER_W, IDX_CH, E), jnp.float32),
            pltpu.SemaphoreType.DMA,
        ],
        compiler_params=pltpu.CompilerParams(use_tc_tiling_on_sc=False),
    )
    return call(table, gidx2d)


def kernel(x, codebooks1, codebooks2):
    xg = x.reshape(BN, G, E, T)

    idx1, gidx1 = _tc1(xg, codebooks1)
    zq1 = _sc_gather(codebooks1.reshape(G * K, E),
                     gidx1.reshape(NW * CH_PER_W, IDX_CH))
    idx2, gidx2, q1, s1 = _tc2(xg, zq1.reshape(G, BN, T, E), codebooks2)
    zq2 = _sc_gather(codebooks2.reshape(G * K, E),
                     gidx2.reshape(NW * CH_PER_W, IDX_CH))
    qs, s2 = _tc3(xg, q1, zq2.reshape(G, BN, T, E))

    quantized_out = qs.reshape(BN, G * E, T)

    m1 = s1[0, 0] / NLOSS
    m2 = s2[0, 0] / NLOSS
    l1 = 1.0 * m1 + 0.25 * m1
    l2 = 1.0 * m2 + 0.25 * m2
    total_loss = (l1 + l2) / 2.0

    i1 = idx1.reshape(G, NTOK)
    i2 = idx2.reshape(G, NTOK)
    out = (quantized_out, total_loss)
    out += tuple(i1[g] for g in range(G))
    out += tuple(i2[g] for g in range(G))
    return out

# --- scband reference (transcript-rebuilt; emitter-appended) ---
"""Pipeline reference for scband-rvqquantizer-71150428226058 (READ-ONLY COPY).

The authoritative reference and input builder live on the scoring server;
editing this copy changes nothing except your own understanding.
"""

import jax, jax.numpy as jnp
import numpy as np

N_GROUPS = 8
N_CODES = 8192
E_DIM = 512 // N_GROUPS
CB_ALPHA = 1.0
COMMIT_ALPHA = 0.25
RES_LAYERS = 2


def setup_inputs(seed: int = 0) -> dict:
    key = jax.random.key(seed)
    k1, k2, k3 = jax.random.split(key, 3)
    x = jax.random.normal(k1, (4, 512, 1024), dtype=jnp.float32)
    scale = 1.0 / N_CODES
    codebooks1 = jax.random.uniform(k2, (N_GROUPS, N_CODES, E_DIM), minval=-scale, maxval=scale, dtype=jnp.float32)
    codebooks2 = jax.random.uniform(k3, (N_GROUPS, N_CODES, E_DIM), minval=-scale, maxval=scale, dtype=jnp.float32)
    return {"x": x, "codebooks1": codebooks1, "codebooks2": codebooks2}


def _quantize_group(xg, W):
    # xg: [Ntok, E_DIM], W: [N_CODES, E_DIM]
    d = jnp.sum(xg ** 2, axis=1, keepdims=True) + jnp.sum(W ** 2, axis=1) - 2.0 * jnp.matmul(xg, W.T)
    min_indices = jnp.argmin(d, axis=1)
    z_q = jnp.take(W, min_indices, axis=0)
    return z_q, min_indices


def _one_step(xin, codebooks):
    # xin: [B, 512, T]
    xt = jnp.swapaxes(xin, 1, 2)  # [B, T, 512]
    flat = xt.reshape(-1, 512)
    parts = jnp.split(flat, N_GROUPS, axis=-1)
    zqs, idxs = [], []
    for g in range(N_GROUPS):
        zq, idx = _quantize_group(parts[g], codebooks[g])
        zqs.append(zq)
        idxs.append(idx)
    z_q = jnp.concatenate(zqs, axis=-1).reshape(xt.shape)
    loss = CB_ALPHA * jnp.mean((z_q - jax.lax.stop_gradient(xt)) ** 2) \
         + COMMIT_ALPHA * jnp.mean((jax.lax.stop_gradient(z_q) - xt) ** 2)
    z_q = xt + jax.lax.stop_gradient(z_q - xt)
    z_q = jnp.swapaxes(z_q, 1, 2)
    return z_q, loss, idxs


def reference(x, codebooks1, codebooks2):
    quantized_out = jnp.zeros_like(x)
    residual = x
    all_losses = []
    all_indices = []
    for i in range(RES_LAYERS):
        cbs = codebooks1 if i == 0 else codebooks2
        quantized, loss, idxs = _one_step(residual, cbs)
        residual = residual - quantized
        quantized_out = quantized_out + quantized
        all_indices.extend(idxs)
        all_losses.append(loss)
    total_loss = jnp.mean(jnp.stack(all_losses))
    return (quantized_out, total_loss, *all_indices)

if __name__ == "__main__":
    import jax
    _d = setup_inputs()
    print(jax.jit(kernel)(*tuple(_d.values())))

</pallas_src>

<mosaic_0001>
#map = affine_map<(d0, d1) -> (0, 0)>
#map1 = affine_map<(d0, d1) -> (0, 0, 0)>
module attributes {stable_mosaic.version = 14 : i64} {
  func.func @_sc_gather_body(%arg0: i32, %arg1: i32, %arg2: memref<65536x64xf32, #tpu.memory_space<hbm>>, %arg3: memref<256x128xi32, #tpu.memory_space<hbm>>, %arg4: memref<256x128x64xf32, #tpu.memory_space<hbm>>, %arg5: memref<8x128xi32, #tpu.memory_space<vmem>>, %arg6: memref<8x128x64xf32, #tpu.memory_space<vmem>>, %arg7: memref<!tpu.dma_semaphore, #tpu.memory_space<semaphore_mem>>) attributes {dimension_semantics = [#tpu.dimension_semantics<core_parallel>, #tpu.dimension_semantics<subcore_parallel>], iteration_bounds = array<i64: 2, 16>, scalar_prefetch = 0 : i64, scratch_operands = 3 : i64, tpu.core_type = #tpu.core_type<sc_vector_subcore>, window_params = [{transform_indices = #map}, {transform_indices = #map}, {transform_indices = #map1}]} {
    %mul3A = arith.constant 2 : i32
    %mul3A_0 = arith.muli %arg1, %mul3A : i32
    %add3A = arith.addi %mul3A_0, %arg0 : i32
    %mul3A_1 = arith.constant 8 : i32
    %mul3A_2 = arith.muli %add3A, %mul3A_1 : i32
    "tpu.region"() ({
      %run_scoped3A = tpu.sem_alloc : memref<!tpu.dma_semaphore, #tpu.memory_space<semaphore_mem>>
      %dma_start3A_193 = arith.constant 0 : i32
      %dma_start3A_194 = tpu.memref_slice %arg3[%mul3A_2, %dma_start3A_193] : memref<256x128xi32, #tpu.memory_space<hbm>> -> memref<8x128xi32, #tpu.memory_space<hbm>>
      %dma_start3A_195 = arith.constant 0 : i32
      %dma_start3A_196 = tpu.memref_slice %arg3[%mul3A_2, %dma_start3A_195] : memref<256x128xi32, #tpu.memory_space<hbm>> -> memref<8x128xi32, #tpu.memory_space<hbm>>
      tpu.enqueue_dma source(%dma_start3A_196 : memref<8x128xi32, #tpu.memory_space<hbm>>) target(%arg5 : memref<8x128xi32, #tpu.memory_space<vmem>>) target_semaphore(%run_scoped3A : memref<!tpu.dma_semaphore, #tpu.memory_space<semaphore_mem>>)
      %dma_wait3A_197 = arith.constant 0 : i32
      %dma_wait3A_198 = tpu.memref_slice %arg3[%mul3A_2, %dma_wait3A_197] : memref<256x128xi32, #tpu.memory_space<hbm>> -> memref<8x128xi32, #tpu.memory_space<hbm>>
      %dma_wait3A_199 = arith.constant 0 : i32
      %dma_wait3A_200 = tpu.memref_slice %arg3[%mul3A_2, %dma_wait3A_199] : memref<256x128xi32, #tpu.memory_space<hbm>> -> memref<8x128xi32, #tpu.memory_space<hbm>>
      tpu.wait_dma2 semaphore(%run_scoped3A : memref<!tpu.dma_semaphore, #tpu.memory_space<semaphore_mem>>) src(%dma_wait3A_200 : memref<8x128xi32, #tpu.memory_space<hbm>>) dst(%arg5 : memref<8x128xi32, #tpu.memory_space<vmem>>)
      tpu.yield
    }) : () -> ()
    %dma_start3A = arith.constant 0 : i32
    %dma_start3A_3 = arith.constant 0 : i32
    %dma_start3A_4 = arith.constant 0 : i32
    %dma_start3A_5 = arith.constant 0 : i32
    %dma_start3A_6 = tpu.memref_slice %arg6[%dma_start3A_3, %dma_start3A_4, %dma_start3A_5] : memref<8x128x64xf32, #tpu.memory_space<vmem>> -> memref<1x128x64xf32, #tpu.memory_space<vmem>>
    %dma_start3A_7 = tpu.memref_squeeze %dma_start3A_6 : memref<1x128x64xf32, #tpu.memory_space<vmem>> -> memref<128x64xf32, #tpu.memory_space<vmem>>
    %dma_start3A_8 = arith.constant 0 : i32
    %dma_start3A_9 = tpu.memref_slice %arg5[%dma_start3A, %dma_start3A_8] : memref<8x128xi32, #tpu.memory_space<vmem>> -> memref<1x128xi32, #tpu.memory_space<vmem>>
    %dma_start3A_10 = tpu.memref_squeeze %dma_start3A_9 : memref<1x128xi32, #tpu.memory_space<vmem>> -> memref<128xi32, #tpu.memory_space<vmem>>
    %dma_start3A_11 = arith.constant 0 : i32
    %dma_start3A_12 = arith.constant 0 : i32
    %dma_start3A_13 = tpu.memref_slice %arg2[%dma_start3A_11, %dma_start3A_12] : memref<65536x64xf32, #tpu.memory_space<hbm>> -> memref<65536x64xf32, #tpu.memory_space<hbm>>
    tpu.enqueue_indirect_dma source(%dma_start3A_13 : memref<65536x64xf32, #tpu.memory_space<hbm>>) target(%dma_start3A_7 : memref<128x64xf32, #tpu.memory_space<vmem>>) offsets(%dma_start3A_10 : memref<128xi32, #tpu.memory_space<vmem>>) semaphore(%arg7 : memref<!tpu.dma_semaphore, #tpu.memory_space<semaphore_mem>>)
    %dma_start3A_14 = arith.constant 1 : i32
    %dma_start3A_15 = arith.constant 1 : i32
    %dma_start3A_16 = arith.constant 0 : i32
    %dma_start3A_17 = arith.constant 0 : i32
    %dma_start3A_18 = tpu.memref_slice %arg6[%dma_start3A_15, %dma_start3A_16, %dma_start3A_17] : memref<8x128x64xf32, #tpu.memory_space<vmem>> -> memref<1x128x64xf32, #tpu.memory_space<vmem>>
    %dma_start3A_19 = tpu.memref_squeeze %dma_start3A_18 : memref<1x128x64xf32, #tpu.memory_space<vmem>> -> memref<128x64xf32, #tpu.memory_space<vmem>>
    %dma_start3A_20 = arith.constant 0 : i32
    %dma_start3A_21 = tpu.memref_slice %arg5[%dma_start3A_14, %dma_start3A_20] : memref<8x128xi32, #tpu.memory_space<vmem>> -> memref<1x128xi32, #tpu.memory_space<vmem>>
    %dma_start3A_22 = tpu.memref_squeeze %dma_start3A_21 : memref<1x128xi32, #tpu.memory_space<vmem>> -> memref<128xi32, #tpu.memory_space<vmem>>
    %dma_start3A_23 = arith.constant 0 : i32
    %dma_start3A_24 = arith.constant 0 : i32
    %dma_start3A_25 = tpu.memref_slice %arg2[%dma_start3A_23, %dma_start3A_24] : memref<65536x64xf32, #tpu.memory_space<hbm>> -> memref<65536x64xf32, #tpu.memory_space<hbm>>
    tpu.enqueue_indirect_dma source(%dma_start3A_25 : memref<65536x64xf32, #tpu.memory_space<hbm>>) target(%dma_start3A_19 : memref<128x64xf32, #tpu.memory_space<vmem>>) offsets(%dma_start3A_22 : memref<128xi32, #tpu.memory_space<vmem>>) semaphore(%arg7 : memref<!tpu.dma_semaphore, #tpu.memory_space<semaphore_mem>>)
    %dma_start3A_26 = arith.constant 2 : i32
    %dma_start3A_27 = arith.constant 2 : i32
    %dma_start3A_28 = arith.constant 0 : i32
    %dma_start3A_29 = arith.constant 0 : i32
    %dma_start3A_30 = tpu.memref_slice %arg6[%dma_start3A_27, %dma_start3A_28, %dma_start3A_29] : memref<8x128x64xf32, #tpu.memory_space<vmem>> -> memref<1x128x64xf32, #tpu.memory_space<vmem>>
    %dma_start3A_31 = tpu.memref_squeeze %dma_start3A_30 : memref<1x128x64xf32, #tpu.memory_space<vmem>> -> memref<128x64xf32, #tpu.memory_space<vmem>>
    %dma_start3A_32 = arith.constant 0 : i32
    %dma_start3A_33 = tpu.memref_slice %arg5[%dma_start3A_26, %dma_start3A_32] : memref<8x128xi32, #tpu.memory_space<vmem>> -> memref<1x128xi32, #tpu.memory_space<vmem>>
    %dma_start3A_34 = tpu.memref_squeeze %dma_start3A_33 : memref<1x128xi32, #tpu.memory_space<vmem>> -> memref<128xi32, #tpu.memory_space<vmem>>
    %dma_start3A_35 = arith.constant 0 : i32
    %dma_start3A_36 = arith.constant 0 : i32
    %dma_start3A_37 = tpu.memref_slice %arg2[%dma_start3A_35, %dma_start3A_36] : memref<65536x64xf32, #tpu.memory_space<hbm>> -> memref<65536x64xf32, #tpu.memory_space<hbm>>
    tpu.enqueue_indirect_dma source(%dma_start3A_37 : memref<65536x64xf32, #tpu.memory_space<hbm>>) target(%dma_start3A_31 : memref<128x64xf32, #tpu.memory_space<vmem>>) offsets(%dma_start3A_34 : memref<128xi32, #tpu.memory_space<vmem>>) semaphore(%arg7 : memref<!tpu.dma_semaphore, #tpu.memory_space<semaphore_mem>>)
    %dma_start3A_38 = arith.constant 3 : i32
    %dma_start3A_39 = arith.constant 3 : i32
    %dma_start3A_40 = arith.constant 0 : i32
    %dma_start3A_41 = arith.constant 0 : i32
    %dma_start3A_42 = tpu.memref_slice %arg6[%dma_start3A_39, %dma_start3A_40, %dma_start3A_41] : memref<8x128x64xf32, #tpu.memory_space<vmem>> -> memref<1x128x64xf32, #tpu.memory_space<vmem>>
    %dma_start3A_43 = tpu.memref_squeeze %dma_start3A_42 : memref<1x128x64xf32, #tpu.memory_space<vmem>> -> memref<128x64xf32, #tpu.memory_space<vmem>>
    %dma_start3A_44 = arith.constant 0 : i32
    %dma_start3A_45 = tpu.memref_slice %arg5[%dma_start3A_38, %dma_start3A_44] : memref<8x128xi32, #tpu.memory_space<vmem>> -> memref<1x128xi32, #tpu.memory_space<vmem>>
    %dma_start3A_46 = tpu.memref_squeeze %dma_start3A_45 : memref<1x128xi32, #tpu.memory_space<vmem>> -> memref<128xi32, #tpu.memory_space<vmem>>
    %dma_start3A_47 = arith.constant 0 : i32
    %dma_start3A_48 = arith.constant 0 : i32
    %dma_start3A_49 = tpu.memref_slice %arg2[%dma_start3A_47, %dma_start3A_48] : memref<65536x64xf32, #tpu.memory_space<hbm>> -> memref<65536x64xf32, #tpu.memory_space<hbm>>
    tpu.enqueue_indirect_dma source(%dma_start3A_49 : memref<65536x64xf32, #tpu.memory_space<hbm>>) target(%dma_start3A_43 : memref<128x64xf32, #tpu.memory_space<vmem>>) offsets(%dma_start3A_46 : memref<128xi32, #tpu.memory_space<vmem>>) semaphore(%arg7 : memref<!tpu.dma_semaphore, #tpu.memory_space<semaphore_mem>>)
    %dma_start3A_50 = arith.constant 4 : i32
    %dma_start3A_51 = arith.constant 4 : i32
    %dma_start3A_52 = arith.constant 0 : i32
    %dma_start3A_53 = arith.constant 0 : i32
    %dma_start3A_54 = tpu.memref_slice %arg6[%dma_start3A_51, %dma_start3A_52, %dma_start3A_53] : memref<8x128x64xf32, #tpu.memory_space<vmem>> -> memref<1x128x64xf32, #tpu.memory_space<vmem>>
    %dma_start3A_55 = tpu.memref_squeeze %dma_start3A_54 : memref<1x128x64xf32, #tpu.memory_space<vmem>> -> memref<128x64xf32, #tpu.memory_space<vmem>>
    %dma_start3A_56 = arith.constant 0 : i32
    %dma_start3A_57 = tpu.memref_slice %arg5[%dma_start3A_50, %dma_start3A_56] : memref<8x128xi32, #tpu.memory_space<vmem>> -> memref<1x128xi32, #tpu.memory_space<vmem>>
    %dma_start3A_58 = tpu.memref_squeeze %dma_start3A_57 : memref<1x128xi32, #tpu.memory_space<vmem>> -> memref<128xi32, #tpu.memory_space<vmem>>
    %dma_start3A_59 = arith.constant 0 : i32
    %dma_start3A_60 = arith.constant 0 : i32
    %dma_start3A_61 = tpu.memref_slice %arg2[%dma_start3A_59, %dma_start3A_60] : memref<65536x64xf32, #tpu.memory_space<hbm>> -> memref<65536x64xf32, #tpu.memory_space<hbm>>
    tpu.enqueue_indirect_dma source(%dma_start3A_61 : memref<65536x64xf32, #tpu.memory_space<hbm>>) target(%dma_start3A_55 : memref<128x64xf32, #tpu.memory_space<vmem>>) offsets(%dma_start3A_58 : memref<128xi32, #tpu.memory_space<vmem>>) semaphore(%arg7 : memref<!tpu.dma_semaphore, #tpu.memory_space<semaphore_mem>>)
    %dma_start3A_62 = arith.constant 5 : i32
    %dma_start3A_63 = arith.constant 5 : i32
    %dma_start3A_64 = arith.constant 0 : i32
    %dma_start3A_65 = arith.constant 0 : i32
    %dma_start3A_66 = tpu.memref_slice %arg6[%dma_start3A_63, %dma_start3A_64, %dma_start3A_65] : memref<8x128x64xf32, #tpu.memory_space<vmem>> -> memref<1x128x64xf32, #tpu.memory_space<vmem>>
    %dma_start3A_67 = tpu.memref_squeeze %dma_start3A_66 : memref<1x128x64xf32, #tpu.memory_space<vmem>> -> memref<128x64xf32, #tpu.memory_space<vmem>>
    %dma_start3A_68 = arith.constant 0 : i32
    %dma_start3A_69 = tpu.memref_slice %arg5[%dma_start3A_62, %dma_start3A_68] : memref<8x128xi32, #tpu.memory_space<vmem>> -> memref<1x128xi32, #tpu.memory_space<vmem>>
    %dma_start3A_70 = tpu.memref_squeeze %dma_start3A_69 : memref<1x128xi32, #tpu.memory_space<vmem>> -> memref<128xi32, #tpu.memory_space<vmem>>
    %dma_start3A_71 = arith.constant 0 : i32
    %dma_start3A_72 = arith.constant 0 : i32
    %dma_start3A_73 = tpu.memref_slice %arg2[%dma_start3A_71, %dma_start3A_72] : memref<65536x64xf32, #tpu.memory_space<hbm>> -> memref<65536x64xf32, #tpu.memory_space<hbm>>
    tpu.enqueue_indirect_dma source(%dma_start3A_73 : memref<65536x64xf32, #tpu.memory_space<hbm>>) target(%dma_start3A_67 : memref<128x64xf32, #tpu.memory_space<vmem>>) offsets(%dma_start3A_70 : memref<128xi32, #tpu.memory_space<vmem>>) semaphore(%arg7 : memref<!tpu.dma_semaphore, #tpu.memory_space<semaphore_mem>>)
    %dma_start3A_74 = arith.constant 6 : i32
    %dma_start3A_75 = arith.constant 6 : i32
    %dma_start3A_76 = arith.constant 0 : i32
    %dma_start3A_77 = arith.constant 0 : i32
    %dma_start3A_78 = tpu.memref_slice %arg6[%dma_start3A_75, %dma_start3A_76, %dma_start3A_77] : memref<8x128x64xf32, #tpu.memory_space<vmem>> -> memref<1x128x64xf32, #tpu.memory_space<vmem>>
    %dma_start3A_79 = tpu.memref_squeeze %dma_start3A_78 : memref<1x128x64xf32, #tpu.memory_space<vmem>> -> memref<128x64xf32, #tpu.memory_space<vmem>>
    %dma_start3A_80 = arith.constant 0 : i32
    %dma_start3A_81 = tpu.memref_slice %arg5[%dma_start3A_74, %dma_start3A_80] : memref<8x128xi32, #tpu.memory_space<vmem>> -> memref<1x128xi32, #tpu.memory_space<vmem>>
    %dma_start3A_82 = tpu.memref_squeeze %dma_start3A_81 : memref<1x128xi32, #tpu.memory_space<vmem>> -> memref<128xi32, #tpu.memory_space<vmem>>
    %dma_start3A_83 = arith.constant 0 : i32
    %dma_start3A_84 = arith.constant 0 : i32
    %dma_start3A_85 = tpu.memref_slice %arg2[%dma_start3A_83, %dma_start3A_84] : memref<65536x64xf32, #tpu.memory_space<hbm>> -> memref<65536x64xf32, #tpu.memory_space<hbm>>
    tpu.enqueue_indirect_dma source(%dma_start3A_85 : memref<65536x64xf32, #tpu.memory_space<hbm>>) target(%dma_start3A_79 : memref<128x64xf32, #tpu.memory_space<vmem>>) offsets(%dma_start3A_82 : memref<128xi32, #tpu.memory_space<vmem>>) semaphore(%arg7 : memref<!tpu.dma_semaphore, #tpu.memory_space<semaphore_mem>>)
    %dma_start3A_86 = arith.constant 7 : i32
    %dma_start3A_87 = arith.constant 7 : i32
    %dma_start3A_88 = arith.constant 0 : i32
    %dma_start3A_89 = arith.constant 0 : i32
    %dma_start3A_90 = tpu.memref_slice %arg6[%dma_start3A_87, %dma_start3A_88, %dma_start3A_89] : memref<8x128x64xf32, #tpu.memory_space<vmem>> -> memref<1x128x64xf32, #tpu.memory_space<vmem>>
    %dma_start3A_91 = tpu.memref_squeeze %dma_start3A_90 : memref<1x128x64xf32, #tpu.memory_space<vmem>> -> memref<128x64xf32, #tpu.memory_space<vmem>>
    %dma_start3A_92 = arith.constant 0 : i32
    %dma_start3A_93 = tpu.memref_slice %arg5[%dma_start3A_86, %dma_start3A_92] : memref<8x128xi32, #tpu.memory_space<vmem>> -> memref<1x128xi32, #tpu.memory_space<vmem>>
    %dma_start3A_94 = tpu.memref_squeeze %dma_start3A_93 : memref<1x128xi32, #tpu.memory_space<vmem>> -> memref<128xi32, #tpu.memory_space<vmem>>
    %dma_start3A_95 = arith.constant 0 : i32
    %dma_start3A_96 = arith.constant 0 : i32
    %dma_start3A_97 = tpu.memref_slice %arg2[%dma_start3A_95, %dma_start3A_96] : memref<65536x64xf32, #tpu.memory_space<hbm>> -> memref<65536x64xf32, #tpu.memory_space<hbm>>
    tpu.enqueue_indirect_dma source(%dma_start3A_97 : memref<65536x64xf32, #tpu.memory_space<hbm>>) target(%dma_start3A_91 : memref<128x64xf32, #tpu.memory_space<vmem>>) offsets(%dma_start3A_94 : memref<128xi32, #tpu.memory_space<vmem>>) semaphore(%arg7 : memref<!tpu.dma_semaphore, #tpu.memory_space<semaphore_mem>>)
    %dma_wait3A = arith.constant 0 : i32
    %dma_wait3A_98 = arith.constant 0 : i32
    %dma_wait3A_99 = arith.constant 0 : i32
    %dma_wait3A_100 = arith.constant 0 : i32
    %dma_wait3A_101 = tpu.memref_slice %arg6[%dma_wait3A_98, %dma_wait3A_99, %dma_wait3A_100] : memref<8x128x64xf32, #tpu.memory_space<vmem>> -> memref<1x128x64xf32, #tpu.memory_space<vmem>>
    %dma_wait3A_102 = tpu.memref_squeeze %dma_wait3A_101 : memref<1x128x64xf32, #tpu.memory_space<vmem>> -> memref<128x64xf32, #tpu.memory_space<vmem>>
    %dma_wait3A_103 = arith.constant 0 : i32
    %dma_wait3A_104 = tpu.memref_slice %arg5[%dma_wait3A, %dma_wait3A_103] : memref<8x128xi32, #tpu.memory_space<vmem>> -> memref<1x128xi32, #tpu.memory_space<vmem>>
    %dma_wait3A_105 = tpu.memref_squeeze %dma_wait3A_104 : memref<1x128xi32, #tpu.memory_space<vmem>> -> memref<128xi32, #tpu.memory_space<vmem>>
    %dma_wait3A_106 = arith.constant 0 : i32
    %dma_wait3A_107 = arith.constant 0 : i32
    %dma_wait3A_108 = tpu.memref_slice %arg2[%dma_wait3A_106, %dma_wait3A_107] : memref<65536x64xf32, #tpu.memory_space<hbm>> -> memref<65536x64xf32, #tpu.memory_space<hbm>>
    tpu.wait_indirect_dma semaphore(%arg7 : memref<!tpu.dma_semaphore, #tpu.memory_space<semaphore_mem>>) src(%dma_wait3A_108 : memref<65536x64xf32, #tpu.memory_space<hbm>>) dst(%dma_wait3A_102 : memref<128x64xf32, #tpu.memory_space<vmem>>)
    %dma_wait3A_109 = arith.constant 1 : i32
    %dma_wait3A_110 = arith.constant 1 : i32
    %dma_wait3A_111 = arith.constant 0 : i32
    %dma_wait3A_112 = arith.constant 0 : i32
    %dma_wait3A_113 = tpu.memref_slice %arg6[%dma_wait3A_110, %dma_wait3A_111, %dma_wait3A_112] : memref<8x128x64xf32, #tpu.memory_space<vmem>> -> memref<1x128x64xf32, #tpu.memory_space<vmem>>
    %dma_wait3A_114 = tpu.memref_squeeze %dma_wait3A_113 : memref<1x128x64xf32, #tpu.memory_space<vmem>> -> memref<128x64xf32, #tpu.memory_space<vmem>>
    %dma_wait3A_115 = arith.constant 0 : i32
    %dma_wait3A_116 = tpu.memref_slice %arg5[%dma_wait3A_109, %dma_wait3A_115] : memref<8x128xi32, #tpu.memory_space<vmem>> -> memref<1x128xi32, #tpu.memory_space<vmem>>
    %dma_wait3A_117 = tpu.memref_squeeze %dma_wait3A_116 : memref<1x128xi32, #tpu.memory_space<vmem>> -> memref<128xi32, #tpu.memory_space<vmem>>
    %dma_wait3A_118 = arith.constant 0 : i32
    %dma_wait3A_119 = arith.constant 0 : i32
    %dma_wait3A_120 = tpu.memref_slice %arg2[%dma_wait3A_118, %dma_wait3A_119] : memref<65536x64xf32, #tpu.memory_space<hbm>> -> memref<65536x64xf32, #tpu.memory_space<hbm>>
    tpu.wait_indirect_dma semaphore(%arg7 : memref<!tpu.dma_semaphore, #tpu.memory_space<semaphore_mem>>) src(%dma_wait3A_120 : memref<65536x64xf32, #tpu.memory_space<hbm>>) dst(%dma_wait3A_114 : memref<128x64xf32, #tpu.memory_space<vmem>>)
    %dma_wait3A_121 = arith.constant 2 : i32
    %dma_wait3A_122 = arith.constant 2 : i32
    %dma_wait3A_123 = arith.constant 0 : i32
    %dma_wait3A_124 = arith.constant 0 : i32
    %dma_wait3A_125 = tpu.memref_slice %arg6[%dma_wait3A_122, %dma_wait3A_123, %dma_wait3A_124] : memref<8x128x64xf32, #tpu.memory_space<vmem>> -> memref<1x128x64xf32, #tpu.memory_space<vmem>>
    %dma_wait3A_126 = tpu.memref_squeeze %dma_wait3A_125 : memref<1x128x64xf32, #tpu.memory_space<vmem>> -> memref<128x64xf32, #tpu.memory_space<vmem>>
    %dma_wait3A_127 = arith.constant 0 : i32
    %dma_wait3A_128 = tpu.memref_slice %arg5[%dma_wait3A_121, %dma_wait3A_127] : memref<8x128xi32, #tpu.memory_space<vmem>> -> memref<1x128xi32, #tpu.memory_space<vmem>>
    %dma_wait3A_129 = tpu.memref_squeeze %dma_wait3A_128 : memref<1x128xi32, #tpu.memory_space<vmem>> -> memref<128xi32, #tpu.memory_space<vmem>>
    %dma_wait3A_130 = arith.constant 0 : i32
    %dma_wait3A_131 = arith.constant 0 : i32
    %dma_wait3A_132 = tpu.memref_slice %arg2[%dma_wait3A_130, %dma_wait3A_131] : memref<65536x64xf32, #tpu.memory_space<hbm>> -> memref<65536x64xf32, #tpu.memory_space<hbm>>
    tpu.wait_indirect_dma semaphore(%arg7 : memref<!tpu.dma_semaphore, #tpu.memory_space<semaphore_mem>>) src(%dma_wait3A_132 : memref<65536x64xf32, #tpu.memory_space<hbm>>) dst(%dma_wait3A_126 : memref<128x64xf32, #tpu.memory_space<vmem>>)
    %dma_wait3A_133 = arith.constant 3 : i32
    %dma_wait3A_134 = arith.constant 3 : i32
    %dma_wait3A_135 = arith.constant 0 : i32
    %dma_wait3A_136 = arith.constant 0 : i32
    %dma_wait3A_137 = tpu.memref_slice %arg6[%dma_wait3A_134, %dma_wait3A_135, %dma_wait3A_136] : memref<8x128x64xf32, #tpu.memory_space<vmem>> -> memref<1x128x64xf32, #tpu.memory_space<vmem>>
    %dma_wait3A_138 = tpu.memref_squeeze %dma_wait3A_137 : memref<1x128x64xf32, #tpu.memory_space<vmem>> -> memref<128x64xf32, #tpu.memory_space<vmem>>
    %dma_wait3A_139 = arith.constant 0 : i32
    %dma_wait3A_140 = tpu.memref_slice %arg5[%dma_wait3A_133, %dma_wait3A_139] : memref<8x128xi32, #tpu.memory_space<vmem>> -> memref<1x128xi32, #tpu.memory_space<vmem>>
    %dma_wait3A_141 = tpu.memref_squeeze %dma_wait3A_140 : memref<1x128xi32, #tpu.memory_space<vmem>> -> memref<128xi32, #tpu.memory_space<vmem>>
    %dma_wait3A_142 = arith.constant 0 : i32
    %dma_wait3A_143 = arith.constant 0 : i32
    %dma_wait3A_144 = tpu.memref_slice %arg2[%dma_wait3A_142, %dma_wait3A_143] : memref<65536x64xf32, #tpu.memory_space<hbm>> -> memref<65536x64xf32, #tpu.memory_space<hbm>>
    tpu.wait_indirect_dma semaphore(%arg7 : memref<!tpu.dma_semaphore, #tpu.memory_space<semaphore_mem>>) src(%dma_wait3A_144 : memref<65536x64xf32, #tpu.memory_space<hbm>>) dst(%dma_wait3A_138 : memref<128x64xf32, #tpu.memory_space<vmem>>)
    %dma_wait3A_145 = arith.constant 4 : i32
    %dma_wait3A_146 = arith.constant 4 : i32
    %dma_wait3A_147 = arith.constant 0 : i32
    %dma_wait3A_148 = arith.constant 0 : i32
    %dma_wait3A_149 = tpu.memref_slice %arg6[%dma_wait3A_146, %dma_wait3A_147, %dma_wait3A_148] : memref<8x128x64xf32, #tpu.memory_space<vmem>> -> memref<1x128x64xf32, #tpu.memory_space<vmem>>
    %dma_wait3A_150 = tpu.memref_squeeze %dma_wait3A_149 : memref<1x128x64xf32, #tpu.memory_space<vmem>> -> memref<128x64xf32, #tpu.memory_space<vmem>>
    %dma_wait3A_151 = arith.constant 0 : i32
    %dma_wait3A_152 = tpu.memref_slice %arg5[%dma_wait3A_145, %dma_wait3A_151] : memref<8x128xi32, #tpu.memory_space<vmem>> -> memref<1x128xi32, #tpu.memory_space<vmem>>
    %dma_wait3A_153 = tpu.memref_squeeze %dma_wait3A_152 : memref<1x128xi32, #tpu.memory_space<vmem>> -> memref<128xi32, #tpu.memory_space<vmem>>
    %dma_wait3A_154 = arith.constant 0 : i32
    %dma_wait3A_155 = arith.constant 0 : i32
    %dma_wait3A_156 = tpu.memref_slice %arg2[%dma_wait3A_154, %dma_wait3A_155] : memref<65536x64xf32, #tpu.memory_space<hbm>> -> memref<65536x64xf32, #tpu.memory_space<hbm>>
    tpu.wait_indirect_dma semaphore(%arg7 : memref<!tpu.dma_semaphore, #tpu.memory_space<semaphore_mem>>) src(%dma_wait3A_156 : memref<65536x64xf32, #tpu.memory_space<hbm>>) dst(%dma_wait3A_150 : memref<128x64xf32, #tpu.memory_space<vmem>>)
    %dma_wait3A_157 = arith.constant 5 : i32
    %dma_wait3A_158 = arith.constant 5 : i32
    %dma_wait3A_159 = arith.constant 0 : i32
    %dma_wait3A_160 = arith.constant 0 : i32
    %dma_wait3A_161 = tpu.memref_slice %arg6[%dma_wait3A_158, %dma_wait3A_159, %dma_wait3A_160] : memref<8x128x64xf32, #tpu.memory_space<vmem>> -> memref<1x128x64xf32, #tpu.memory_space<vmem>>
    %dma_wait3A_162 = tpu.memref_squeeze %dma_wait3A_161 : memref<1x128x64xf32, #tpu.memory_space<vmem>> -> memref<128x64xf32, #tpu.memory_space<vmem>>
    %dma_wait3A_163 = arith.constant 0 : i32
    %dma_wait3A_164 = tpu.memref_slice %arg5[%dma_wait3A_157, %dma_wait3A_163] : memref<8x128xi32, #tpu.memory_space<vmem>> -> memref<1x128xi32, #tpu.memory_space<vmem>>
    %dma_wait3A_165 = tpu.memref_squeeze %dma_wait3A_164 : memref<1x128xi32, #tpu.memory_space<vmem>> -> memref<128xi32, #tpu.memory_space<vmem>>
    %dma_wait3A_166 = arith.constant 0 : i32
    %dma_wait3A_167 = arith.constant 0 : i32
    %dma_wait3A_168 = tpu.memref_slice %arg2[%dma_wait3A_166, %dma_wait3A_167] : memref<65536x64xf32, #tpu.memory_space<hbm>> -> memref<65536x64xf32, #tpu.memory_space<hbm>>
    tpu.wait_indirect_dma semaphore(%arg7 : memref<!tpu.dma_semaphore, #tpu.memory_space<semaphore_mem>>) src(%dma_wait3A_168 : memref<65536x64xf32, #tpu.memory_space<hbm>>) dst(%dma_wait3A_162 : memref<128x64xf32, #tpu.memory_space<vmem>>)
    %dma_wait3A_169 = arith.constant 6 : i32
    %dma_wait3A_170 = arith.constant 6 : i32
    %dma_wait3A_171 = arith.constant 0 : i32
    %dma_wait3A_172 = arith.constant 0 : i32
    %dma_wait3A_173 = tpu.memref_slice %arg6[%dma_wait3A_170, %dma_wait3A_171, %dma_wait3A_172] : memref<8x128x64xf32, #tpu.memory_space<vmem>> -> memref<1x128x64xf32, #tpu.memory_space<vmem>>
    %dma_wait3A_174 = tpu.memref_squeeze %dma_wait3A_173 : memref<1x128x64xf32, #tpu.memory_space<vmem>> -> memref<128x64xf32, #tpu.memory_space<vmem>>
    %dma_wait3A_175 = arith.constant 0 : i32
    %dma_wait3A_176 = tpu.memref_slice %arg5[%dma_wait3A_169, %dma_wait3A_175] : memref<8x128xi32, #tpu.memory_space<vmem>> -> memref<1x128xi32, #tpu.memory_space<vmem>>
    %dma_wait3A_177 = tpu.memref_squeeze %dma_wait3A_176 : memref<1x128xi32, #tpu.memory_space<vmem>> -> memref<128xi32, #tpu.memory_space<vmem>>
    %dma_wait3A_178 = arith.constant 0 : i32
    %dma_wait3A_179 = arith.constant 0 : i32
    %dma_wait3A_180 = tpu.memref_slice %arg2[%dma_wait3A_178, %dma_wait3A_179] : memref<65536x64xf32, #tpu.memory_space<hbm>> -> memref<65536x64xf32, #tpu.memory_space<hbm>>
    tpu.wait_indirect_dma semaphore(%arg7 : memref<!tpu.dma_semaphore, #tpu.memory_space<semaphore_mem>>) src(%dma_wait3A_180 : memref<65536x64xf32, #tpu.memory_space<hbm>>) dst(%dma_wait3A_174 : memref<128x64xf32, #tpu.memory_space<vmem>>)
    %dma_wait3A_181 = arith.constant 7 : i32
    %dma_wait3A_182 = arith.constant 7 : i32
    %dma_wait3A_183 = arith.constant 0 : i32
    %dma_wait3A_184 = arith.constant 0 : i32
    %dma_wait3A_185 = tpu.memref_slice %arg6[%dma_wait3A_182, %dma_wait3A_183, %dma_wait3A_184] : memref<8x128x64xf32, #tpu.memory_space<vmem>> -> memref<1x128x64xf32, #tpu.memory_space<vmem>>
    %dma_wait3A_186 = tpu.memref_squeeze %dma_wait3A_185 : memref<1x128x64xf32, #tpu.memory_space<vmem>> -> memref<128x64xf32, #tpu.memory_space<vmem>>
    %dma_wait3A_187 = arith.constant 0 : i32
    %dma_wait3A_188 = tpu.memref_slice %arg5[%dma_wait3A_181, %dma_wait3A_187] : memref<8x128xi32, #tpu.memory_space<vmem>> -> memref<1x128xi32, #tpu.memory_space<vmem>>
    %dma_wait3A_189 = tpu.memref_squeeze %dma_wait3A_188 : memref<1x128xi32, #tpu.memory_space<vmem>> -> memref<128xi32, #tpu.memory_space<vmem>>
    %dma_wait3A_190 = arith.constant 0 : i32
    %dma_wait3A_191 = arith.constant 0 : i32
    %dma_wait3A_192 = tpu.memref_slice %arg2[%dma_wait3A_190, %dma_wait3A_191] : memref<65536x64xf32, #tpu.memory_space<hbm>> -> memref<65536x64xf32, #tpu.memory_space<hbm>>
    tpu.wait_indirect_dma semaphore(%arg7 : memref<!tpu.dma_semaphore, #tpu.memory_space<semaphore_mem>>) src(%dma_wait3A_192 : memref<65536x64xf32, #tpu.memory_space<hbm>>) dst(%dma_wait3A_186 : memref<128x64xf32, #tpu.memory_space<vmem>>)
    "tpu.region"() ({
      %run_scoped3A = tpu.sem_alloc : memref<!tpu.dma_semaphore, #tpu.memory_space<semaphore_mem>>
      %dma_start3A_193 = arith.constant 0 : i32
      %dma_start3A_194 = arith.constant 0 : i32
      %dma_start3A_195 = tpu.memref_slice %arg4[%mul3A_2, %dma_start3A_193, %dma_start3A_194] : memref<256x128x64xf32, #tpu.memory_space<hbm>> -> memref<8x128x64xf32, #tpu.memory_space<hbm>>
      %dma_start3A_196 = arith.constant 0 : i32
      %dma_start3A_197 = arith.constant 0 : i32
      %dma_start3A_198 = tpu.memref_slice %arg4[%mul3A_2, %dma_start3A_196, %dma_start3A_197] : memref<256x128x64xf32, #tpu.memory_space<hbm>> -> memref<8x128x64xf32, #tpu.memory_space<hbm>>
      tpu.enqueue_dma source(%arg6 : memref<8x128x64xf32, #tpu.memory_space<vmem>>) target(%dma_start3A_198 : memref<8x128x64xf32, #tpu.memory_space<hbm>>) target_semaphore(%run_scoped3A : memref<!tpu.dma_semaphore, #tpu.memory_space<semaphore_mem>>)
      %dma_wait3A_199 = arith.constant 0 : i32
      %dma_wait3A_200 = arith.constant 0 : i32
      %dma_wait3A_201 = tpu.memref_slice %arg4[%mul3A_2, %dma_wait3A_199, %dma_wait3A_200] : memref<256x128x64xf32, #tpu.memory_space<hbm>> -> memref<8x128x64xf32, #tpu.memory_space<hbm>>
      %dma_wait3A_202 = arith.constant 0 : i32
      %dma_wait3A_203 = arith.constant 0 : i32
      %dma_wait3A_204 = tpu.memref_slice %arg4[%mul3A_2, %dma_wait3A_202, %dma_wait3A_203] : memref<256x128x64xf32, #tpu.memory_space<hbm>> -> memref<8x128x64xf32, #tpu.memory_space<hbm>>
      tpu.wait_dma2 semaphore(%run_scoped3A : memref<!tpu.dma_semaphore, #tpu.memory_space<semaphore_mem>>) src(%arg6 : memref<8x128x64xf32, #tpu.memory_space<vmem>>) dst(%dma_wait3A_204 : memref<8x128x64xf32, #tpu.memory_space<hbm>>)
      tpu.yield
    }) : () -> ()
    return
  }
}

#map = affine_map<(d0, d1) -> (0, 0)>
#map1 = affine_map<(d0, d1) -> (0, 0, 0)>
module attributes {stable_mosaic.version = 14 : i64} {
  func.func @_sc_gather_body(%arg0: i32, %arg1: i32, %arg2: memref<65536x64xf32, #tpu.memory_space<hbm>>, %arg3: memref<256x128xi32, #tpu.memory_space<hbm>>, %arg4: memref<256x128x64xf32, #tpu.memory_space<hbm>>, %arg5: memref<8x128xi32, #tpu.memory_space<vmem>>, %arg6: memref<8x128x64xf32, #tpu.memory_space<vmem>>, %arg7: memref<!tpu.dma_semaphore, #tpu.memory_space<semaphore_mem>>) attributes {dimension_semantics = [#tpu.dimension_semantics<core_parallel>, #tpu.dimension_semantics<subcore_parallel>], iteration_bounds = array<i64: 2, 16>, scalar_prefetch = 0 : i64, scratch_operands = 3 : i64, tpu.core_type = #tpu.core_type<sc_vector_subcore>, window_params = [{transform_indices = #map}, {transform_indices = #map}, {transform_indices = #map1}]} {
    %mul3A = arith.constant 2 : i32
    %mul3A_0 = arith.muli %arg1, %mul3A : i32
    %add3A = arith.addi %mul3A_0, %arg0 : i32
    %mul3A_1 = arith.constant 8 : i32
    %mul3A_2 = arith.muli %add3A, %mul3A_1 : i32
    "tpu.region"() ({
      %run_scoped3A = tpu.sem_alloc : memref<!tpu.dma_semaphore, #tpu.memory_space<semaphore_mem>>
      %dma_start3A_193 = arith.constant 0 : i32
      %dma_start3A_194 = tpu.memref_slice %arg3[%mul3A_2, %dma_start3A_193] : memref<256x128xi32, #tpu.memory_space<hbm>> -> memref<8x128xi32, #tpu.memory_space<hbm>>
      %dma_start3A_195 = arith.constant 0 : i32
      %dma_start3A_196 = tpu.memref_slice %arg3[%mul3A_2, %dma_start3A_195] : memref<256x128xi32, #tpu.memory_space<hbm>> -> memref<8x128xi32, #tpu.memory_space<hbm>>
      tpu.enqueue_dma source(%dma_start3A_196 : memref<8x128xi32, #tpu.memory_space<hbm>>) target(%arg5 : memref<8x128xi32, #tpu.memory_space<vmem>>) target_semaphore(%run_scoped3A : memref<!tpu.dma_semaphore, #tpu.memory_space<semaphore_mem>>)
      %dma_wait3A_197 = arith.constant 0 : i32
      %dma_wait3A_198 = tpu.memref_slice %arg3[%mul3A_2, %dma_wait3A_197] : memref<256x128xi32, #tpu.memory_space<hbm>> -> memref<8x128xi32, #tpu.memory_space<hbm>>
      %dma_wait3A_199 = arith.constant 0 : i32
      %dma_wait3A_200 = tpu.memref_slice %arg3[%mul3A_2, %dma_wait3A_199] : memref<256x128xi32, #tpu.memory_space<hbm>> -> memref<8x128xi32, #tpu.memory_space<hbm>>
      tpu.wait_dma2 semaphore(%run_scoped3A : memref<!tpu.dma_semaphore, #tpu.memory_space<semaphore_mem>>) src(%dma_wait3A_200 : memref<8x128xi32, #tpu.memory_space<hbm>>) dst(%arg5 : memref<8x128xi32, #tpu.memory_space<vmem>>)
      tpu.yield
    }) : () -> ()
    %dma_start3A = arith.constant 0 : i32
    %dma_start3A_3 = arith.constant 0 : i32
    %dma_start3A_4 = arith.constant 0 : i32
    %dma_start3A_5 = arith.constant 0 : i32
    %dma_start3A_6 = tpu.memref_slice %arg6[%dma_start3A_3, %dma_start3A_4, %dma_start3A_5] : memref<8x128x64xf32, #tpu.memory_space<vmem>> -> memref<1x128x64xf32, #tpu.memory_space<vmem>>
    %dma_start3A_7 = tpu.memref_squeeze %dma_start3A_6 : memref<1x128x64xf32, #tpu.memory_space<vmem>> -> memref<128x64xf32, #tpu.memory_space<vmem>>
    %dma_start3A_8 = arith.constant 0 : i32
    %dma_start3A_9 = tpu.memref_slice %arg5[%dma_start3A, %dma_start3A_8] : memref<8x128xi32, #tpu.memory_space<vmem>> -> memref<1x128xi32, #tpu.memory_space<vmem>>
    %dma_start3A_10 = tpu.memref_squeeze %dma_start3A_9 : memref<1x128xi32, #tpu.memory_space<vmem>> -> memref<128xi32, #tpu.memory_space<vmem>>
    %dma_start3A_11 = arith.constant 0 : i32
    %dma_start3A_12 = arith.constant 0 : i32
    %dma_start3A_13 = tpu.memref_slice %arg2[%dma_start3A_11, %dma_start3A_12] : memref<65536x64xf32, #tpu.memory_space<hbm>> -> memref<65536x64xf32, #tpu.memory_space<hbm>>
    tpu.enqueue_indirect_dma source(%dma_start3A_13 : memref<65536x64xf32, #tpu.memory_space<hbm>>) target(%dma_start3A_7 : memref<128x64xf32, #tpu.memory_space<vmem>>) offsets(%dma_start3A_10 : memref<128xi32, #tpu.memory_space<vmem>>) semaphore(%arg7 : memref<!tpu.dma_semaphore, #tpu.memory_space<semaphore_mem>>)
    %dma_start3A_14 = arith.constant 1 : i32
    %dma_start3A_15 = arith.constant 1 : i32
    %dma_start3A_16 = arith.constant 0 : i32
    %dma_start3A_17 = arith.constant 0 : i32
    %dma_start3A_18 = tpu.memref_slice %arg6[%dma_start3A_15, %dma_start3A_16, %dma_start3A_17] : memref<8x128x64xf32, #tpu.memory_space<vmem>> -> memref<1x128x64xf32, #tpu.memory_space<vmem>>
    %dma_start3A_19 = tpu.memref_squeeze %dma_start3A_18 : memref<1x128x64xf32, #tpu.memory_space<vmem>> -> memref<128x64xf32, #tpu.memory_space<vmem>>
    %dma_start3A_20 = arith.constant 0 : i32
    %dma_start3A_21 = tpu.memref_slice %arg5[%dma_start3A_14, %dma_start3A_20] : memref<8x128xi32, #tpu.memory_space<vmem>> -> memref<1x128xi32, #tpu.memory_space<vmem>>
    %dma_start3A_22 = tpu.memref_squeeze %dma_start3A_21 : memref<1x128xi32, #tpu.memory_space<vmem>> -> memref<128xi32, #tpu.memory_space<vmem>>
    %dma_start3A_23 = arith.constant 0 : i32
    %dma_start3A_24 = arith.constant 0 : i32
    %dma_start3A_25 = tpu.memref_slice %arg2[%dma_start3A_23, %dma_start3A_24] : memref<65536x64xf32, #tpu.memory_space<hbm>> -> memref<65536x64xf32, #tpu.memory_space<hbm>>
    tpu.enqueue_indirect_dma source(%dma_start3A_25 : memref<65536x64xf32, #tpu.memory_space<hbm>>) target(%dma_start3A_19 : memref<128x64xf32, #tpu.memory_space<vmem>>) offsets(%dma_start3A_22 : memref<128xi32, #tpu.memory_space<vmem>>) semaphore(%arg7 : memref<!tpu.dma_semaphore, #tpu.memory_space<semaphore_mem>>)
    %dma_start3A_26 = arith.constant 2 : i32
    %dma_start3A_27 = arith.constant 2 : i32
    %dma_start3A_28 = arith.constant 0 : i32
    %dma_start3A_29 = arith.constant 0 : i32
    %dma_start3A_30 = tpu.memref_slice %arg6[%dma_start3A_27, %dma_start3A_28, %dma_start3A_29] : memref<8x128x64xf32, #tpu.memory_space<vmem>> -> memref<1x128x64xf32, #tpu.memory_space<vmem>>
    %dma_start3A_31 = tpu.memref_squeeze %dma_start3A_30 : memref<1x128x64xf32, #tpu.memory_space<vmem>> -> memref<128x64xf32, #tpu.memory_space<vmem>>
    %dma_start3A_32 = arith.constant 0 : i32
    %dma_start3A_33 = tpu.memref_slice %arg5[%dma_start3A_26, %dma_start3A_32] : memref<8x128xi32, #tpu.memory_space<vmem>> -> memref<1x128xi32, #tpu.memory_space<vmem>>
    %dma_start3A_34 = tpu.memref_squeeze %dma_start3A_33 : memref<1x128xi32, #tpu.memory_space<vmem>> -> memref<128xi32, #tpu.memory_space<vmem>>
    %dma_start3A_35 = arith.constant 0 : i32
    %dma_start3A_36 = arith.constant 0 : i32
    %dma_start3A_37 = tpu.memref_slice %arg2[%dma_start3A_35, %dma_start3A_36] : memref<65536x64xf32, #tpu.memory_space<hbm>> -> memref<65536x64xf32, #tpu.memory_space<hbm>>
    tpu.enqueue_indirect_dma source(%dma_start3A_37 : memref<65536x64xf32, #tpu.memory_space<hbm>>) target(%dma_start3A_31 : memref<128x64xf32, #tpu.memory_space<vmem>>) offsets(%dma_start3A_34 : memref<128xi32, #tpu.memory_space<vmem>>) semaphore(%arg7 : memref<!tpu.dma_semaphore, #tpu.memory_space<semaphore_mem>>)
    %dma_start3A_38 = arith.constant 3 : i32
    %dma_start3A_39 = arith.constant 3 : i32
    %dma_start3A_40 = arith.constant 0 : i32
    %dma_start3A_41 = arith.constant 0 : i32
    %dma_start3A_42 = tpu.memref_slice %arg6[%dma_start3A_39, %dma_start3A_40, %dma_start3A_41] : memref<8x128x64xf32, #tpu.memory_space<vmem>> -> memref<1x128x64xf32, #tpu.memory_space<vmem>>
    %dma_start3A_43 = tpu.memref_squeeze %dma_start3A_42 : memref<1x128x64xf32, #tpu.memory_space<vmem>> -> memref<128x64xf32, #tpu.memory_space<vmem>>
    %dma_start3A_44 = arith.constant 0 : i32
    %dma_start3A_45 = tpu.memref_slice %arg5[%dma_start3A_38, %dma_start3A_44] : memref<8x128xi32, #tpu.memory_space<vmem>> -> memref<1x128xi32, #tpu.memory_space<vmem>>
    %dma_start3A_46 = tpu.memref_squeeze %dma_start3A_45 : memref<1x128xi32, #tpu.memory_space<vmem>> -> memref<128xi32, #tpu.memory_space<vmem>>
    %dma_start3A_47 = arith.constant 0 : i32
    %dma_start3A_48 = arith.constant 0 : i32
    %dma_start3A_49 = tpu.memref_slice %arg2[%dma_start3A_47, %dma_start3A_48] : memref<65536x64xf32, #tpu.memory_space<hbm>> -> memref<65536x64xf32, #tpu.memory_space<hbm>>
    tpu.enqueue_indirect_dma source(%dma_start3A_49 : memref<65536x64xf32, #tpu.memory_space<hbm>>) target(%dma_start3A_43 : memref<128x64xf32, #tpu.memory_space<vmem>>) offsets(%dma_start3A_46 : memref<128xi32, #tpu.memory_space<vmem>>) semaphore(%arg7 : memref<!tpu.dma_semaphore, #tpu.memory_space<semaphore_mem>>)
    %dma_start3A_50 = arith.constant 4 : i32
    %dma_start3A_51 = arith.constant 4 : i32
    %dma_start3A_52 = arith.constant 0 : i32
    %dma_start3A_53 = arith.constant 0 : i32
    %dma_start3A_54 = tpu.memref_slice %arg6[%dma_start3A_51, %dma_start3A_52, %dma_start3A_53] : memref<8x128x64xf32, #tpu.memory_space<vmem>> -> memref<1x128x64xf32, #tpu.memory_space<vmem>>
    %dma_start3A_55 = tpu.memref_squeeze %dma_start3A_54 : memref<1x128x64xf32, #tpu.memory_space<vmem>> -> memref<128x64xf32, #tpu.memory_space<vmem>>
    %dma_start3A_56 = arith.constant 0 : i32
    %dma_start3A_57 = tpu.memref_slice %arg5[%dma_start3A_50, %dma_start3A_56] : memref<8x128xi32, #tpu.memory_space<vmem>> -> memref<1x128xi32, #tpu.memory_space<vmem>>
    %dma_start3A_58 = tpu.memref_squeeze %dma_start3A_57 : memref<1x128xi32, #tpu.memory_space<vmem>> -> memref<128xi32, #tpu.memory_space<vmem>>
    %dma_start3A_59 = arith.constant 0 : i32
    %dma_start3A_60 = arith.constant 0 : i32
    %dma_start3A_61 = tpu.memref_slice %arg2[%dma_start3A_59, %dma_start3A_60] : memref<65536x64xf32, #tpu.memory_space<hbm>> -> memref<65536x64xf32, #tpu.memory_space<hbm>>
    tpu.enqueue_indirect_dma source(%dma_start3A_61 : memref<65536x64xf32, #tpu.memory_space<hbm>>) target(%dma_start3A_55 : memref<128x64xf32, #tpu.memory_space<vmem>>) offsets(%dma_start3A_58 : memref<128xi32, #tpu.memory_space<vmem>>) semaphore(%arg7 : memref<!tpu.dma_semaphore, #tpu.memory_space<semaphore_mem>>)
    %dma_start3A_62 = arith.constant 5 : i32
    %dma_start3A_63 = arith.constant 5 : i32
    %dma_start3A_64 = arith.constant 0 : i32
    %dma_start3A_65 = arith.constant 0 : i32
    %dma_start3A_66 = tpu.memref_slice %arg6[%dma_start3A_63, %dma_start3A_64, %dma_start3A_65] : memref<8x128x64xf32, #tpu.memory_space<vmem>> -> memref<1x128x64xf32, #tpu.memory_space<vmem>>
    %dma_start3A_67 = tpu.memref_squeeze %dma_start3A_66 : memref<1x128x64xf32, #tpu.memory_space<vmem>> -> memref<128x64xf32, #tpu.memory_space<vmem>>
    %dma_start3A_68 = arith.constant 0 : i32
    %dma_start3A_69 = tpu.memref_slice %arg5[%dma_start3A_62, %dma_start3A_68] : memref<8x128xi32, #tpu.memory_space<vmem>> -> memref<1x128xi32, #tpu.memory_space<vmem>>
    %dma_start3A_70 = tpu.memref_squeeze %dma_start3A_69 : memref<1x128xi32, #tpu.memory_space<vmem>> -> memref<128xi32, #tpu.memory_space<vmem>>
    %dma_start3A_71 = arith.constant 0 : i32
    %dma_start3A_72 = arith.constant 0 : i32
    %dma_start3A_73 = tpu.memref_slice %arg2[%dma_start3A_71, %dma_start3A_72] : memref<65536x64xf32, #tpu.memory_space<hbm>> -> memref<65536x64xf32, #tpu.memory_space<hbm>>
    tpu.enqueue_indirect_dma source(%dma_start3A_73 : memref<65536x64xf32, #tpu.memory_space<hbm>>) target(%dma_start3A_67 : memref<128x64xf32, #tpu.memory_space<vmem>>) offsets(%dma_start3A_70 : memref<128xi32, #tpu.memory_space<vmem>>) semaphore(%arg7 : memref<!tpu.dma_semaphore, #tpu.memory_space<semaphore_mem>>)
    %dma_start3A_74 = arith.constant 6 : i32
    %dma_start3A_75 = arith.constant 6 : i32
    %dma_start3A_76 = arith.constant 0 : i32
    %dma_start3A_77 = arith.constant 0 : i32
    %dma_start3A_78 = tpu.memref_slice %arg6[%dma_start3A_75, %dma_start3A_76, %dma_start3A_77] : memref<8x128x64xf32, #tpu.memory_space<vmem>> -> memref<1x128x64xf32, #tpu.memory_space<vmem>>
    %dma_start3A_79 = tpu.memref_squeeze %dma_start3A_78 : memref<1x128x64xf32, #tpu.memory_space<vmem>> -> memref<128x64xf32, #tpu.memory_space<vmem>>
    %dma_start3A_80 = arith.constant 0 : i32
    %dma_start3A_81 = tpu.memref_slice %arg5[%dma_start3A_74, %dma_start3A_80] : memref<8x128xi32, #tpu.memory_space<vmem>> -> memref<1x128xi32, #tpu.memory_space<vmem>>
    %dma_start3A_82 = tpu.memref_squeeze %dma_start3A_81 : memref<1x128xi32, #tpu.memory_space<vmem>> -> memref<128xi32, #tpu.memory_space<vmem>>
    %dma_start3A_83 = arith.constant 0 : i32
    %dma_start3A_84 = arith.constant 0 : i32
    %dma_start3A_85 = tpu.memref_slice %arg2[%dma_start3A_83, %dma_start3A_84] : memref<65536x64xf32, #tpu.memory_space<hbm>> -> memref<65536x64xf32, #tpu.memory_space<hbm>>
    tpu.enqueue_indirect_dma source(%dma_start3A_85 : memref<65536x64xf32, #tpu.memory_space<hbm>>) target(%dma_start3A_79 : memref<128x64xf32, #tpu.memory_space<vmem>>) offsets(%dma_start3A_82 : memref<128xi32, #tpu.memory_space<vmem>>) semaphore(%arg7 : memref<!tpu.dma_semaphore, #tpu.memory_space<semaphore_mem>>)
    %dma_start3A_86 = arith.constant 7 : i32
    %dma_start3A_87 = arith.constant 7 : i32
    %dma_start3A_88 = arith.constant 0 : i32
    %dma_start3A_89 = arith.constant 0 : i32
    %dma_start3A_90 = tpu.memref_slice %arg6[%dma_start3A_87, %dma_start3A_88, %dma_start3A_89] : memref<8x128x64xf32, #tpu.memory_space<vmem>> -> memref<1x128x64xf32, #tpu.memory_space<vmem>>
    %dma_start3A_91 = tpu.memref_squeeze %dma_start3A_90 : memref<1x128x64xf32, #tpu.memory_space<vmem>> -> memref<128x64xf32, #tpu.memory_space<vmem>>
    %dma_start3A_92 = arith.constant 0 : i32
    %dma_start3A_93 = tpu.memref_slice %arg5[%dma_start3A_86, %dma_start3A_92] : memref<8x128xi32, #tpu.memory_space<vmem>> -> memref<1x128xi32, #tpu.memory_space<vmem>>
    %dma_start3A_94 = tpu.memref_squeeze %dma_start3A_93 : memref<1x128xi32, #tpu.memory_space<vmem>> -> memref<128xi32, #tpu.memory_space<vmem>>
    %dma_start3A_95 = arith.constant 0 : i32
    %dma_start3A_96 = arith.constant 0 : i32
    %dma_start3A_97 = tpu.memref_slice %arg2[%dma_start3A_95, %dma_start3A_96] : memref<65536x64xf32, #tpu.memory_space<hbm>> -> memref<65536x64xf32, #tpu.memory_space<hbm>>
    tpu.enqueue_indirect_dma source(%dma_start3A_97 : memref<65536x64xf32, #tpu.memory_space<hbm>>) target(%dma_start3A_91 : memref<128x64xf32, #tpu.memory_space<vmem>>) offsets(%dma_start3A_94 : memref<128xi32, #tpu.memory_space<vmem>>) semaphore(%arg7 : memref<!tpu.dma_semaphore, #tpu.memory_space<semaphore_mem>>)
    %dma_wait3A = arith.constant 0 : i32
    %dma_wait3A_98 = arith.constant 0 : i32
    %dma_wait3A_99 = arith.constant 0 : i32
    %dma_wait3A_100 = arith.constant 0 : i32
    %dma_wait3A_101 = tpu.memref_slice %arg6[%dma_wait3A_98, %dma_wait3A_99, %dma_wait3A_100] : memref<8x128x64xf32, #tpu.memory_space<vmem>> -> memref<1x128x64xf32, #tpu.memory_space<vmem>>
    %dma_wait3A_102 = tpu.memref_squeeze %dma_wait3A_101 : memref<1x128x64xf32, #tpu.memory_space<vmem>> -> memref<128x64xf32, #tpu.memory_space<vmem>>
    %dma_wait3A_103 = arith.constant 0 : i32
    %dma_wait3A_104 = tpu.memref_slice %arg5[%dma_wait3A, %dma_wait3A_103] : memref<8x128xi32, #tpu.memory_space<vmem>> -> memref<1x128xi32, #tpu.memory_space<vmem>>
    %dma_wait3A_105 = tpu.memref_squeeze %dma_wait3A_104 : memref<1x128xi32, #tpu.memory_space<vmem>> -> memref<128xi32, #tpu.memory_space<vmem>>
    %dma_wait3A_106 = arith.constant 0 : i32
    %dma_wait3A_107 = arith.constant 0 : i32
    %dma_wait3A_108 = tpu.memref_slice %arg2[%dma_wait3A_106, %dma_wait3A_107] : memref<65536x64xf32, #tpu.memory_space<hbm>> -> memref<65536x64xf32, #tpu.memory_space<hbm>>
    tpu.wait_indirect_dma semaphore(%arg7 : memref<!tpu.dma_semaphore, #tpu.memory_space<semaphore_mem>>) src(%dma_wait3A_108 : memref<65536x64xf32, #tpu.memory_space<hbm>>) dst(%dma_wait3A_102 : memref<128x64xf32, #tpu.memory_space<vmem>>)
    %dma_wait3A_109 = arith.constant 1 : i32
    %dma_wait3A_110 = arith.constant 1 : i32
    %dma_wait3A_111 = arith.constant 0 : i32
    %dma_wait3A_112 = arith.constant 0 : i32
    %dma_wait3A_113 = tpu.memref_slice %arg6[%dma_wait3A_110, %dma_wait3A_111, %dma_wait3A_112] : memref<8x128x64xf32, #tpu.memory_space<vmem>> -> memref<1x128x64xf32, #tpu.memory_space<vmem>>
    %dma_wait3A_114 = tpu.memref_squeeze %dma_wait3A_113 : memref<1x128x64xf32, #tpu.memory_space<vmem>> -> memref<128x64xf32, #tpu.memory_space<vmem>>
    %dma_wait3A_115 = arith.constant 0 : i32
    %dma_wait3A_116 = tpu.memref_slice %arg5[%dma_wait3A_109, %dma_wait3A_115] : memref<8x128xi32, #tpu.memory_space<vmem>> -> memref<1x128xi32, #tpu.memory_space<vmem>>
    %dma_wait3A_117 = tpu.memref_squeeze %dma_wait3A_116 : memref<1x128xi32, #tpu.memory_space<vmem>> -> memref<128xi32, #tpu.memory_space<vmem>>
    %dma_wait3A_118 = arith.constant 0 : i32
    %dma_wait3A_119 = arith.constant 0 : i32
    %dma_wait3A_120 = tpu.memref_slice %arg2[%dma_wait3A_118, %dma_wait3A_119] : memref<65536x64xf32, #tpu.memory_space<hbm>> -> memref<65536x64xf32, #tpu.memory_space<hbm>>
    tpu.wait_indirect_dma semaphore(%arg7 : memref<!tpu.dma_semaphore, #tpu.memory_space<semaphore_mem>>) src(%dma_wait3A_120 : memref<65536x64xf32, #tpu.memory_space<hbm>>) dst(%dma_wait3A_114 : memref<128x64xf32, #tpu.memory_space<vmem>>)
    %dma_wait3A_121 = arith.constant 2 : i32
    %dma_wait3A_122 = arith.constant 2 : i32
    %dma_wait3A_123 = arith.constant 0 : i32
    %dma_wait3A_124 = arith.constant 0 : i32
    %dma_wait3A_125 = tpu.memref_slice %arg6[%dma_wait3A_122, %dma_wait3A_123, %dma_wait3A_124] : memref<8x128x64xf32, #tpu.memory_space<vmem>> -> memref<1x128x64xf32, #tpu.memory_space<vmem>>
    %dma_wait3A_126 = tpu.memref_squeeze %dma_wait3A_125 : memref<1x128x64xf32, #tpu.memory_space<vmem>> -> memref<128x64xf32, #tpu.memory_space<vmem>>
    %dma_wait3A_127 = arith.constant 0 : i32
    %dma_wait3A_128 = tpu.memref_slice %arg5[%dma_wait3A_121, %dma_wait3A_127] : memref<8x128xi32, #tpu.memory_space<vmem>> -> memref<1x128xi32, #tpu.memory_space<vmem>>
    %dma_wait3A_129 = tpu.memref_squeeze %dma_wait3A_128 : memref<1x128xi32, #tpu.memory_space<vmem>> -> memref<128xi32, #tpu.memory_space<vmem>>
    %dma_wait3A_130 = arith.constant 0 : i32
    %dma_wait3A_131 = arith.constant 0 : i32
    %dma_wait3A_132 = tpu.memref_slice %arg2[%dma_wait3A_130, %dma_wait3A_131] : memref<65536x64xf32, #tpu.memory_space<hbm>> -> memref<65536x64xf32, #tpu.memory_space<hbm>>
    tpu.wait_indirect_dma semaphore(%arg7 : memref<!tpu.dma_semaphore, #tpu.memory_space<semaphore_mem>>) src(%dma_wait3A_132 : memref<65536x64xf32, #tpu.memory_space<hbm>>) dst(%dma_wait3A_126 : memref<128x64xf32, #tpu.memory_space<vmem>>)
    %dma_wait3A_133 = arith.constant 3 : i32
    %dma_wait3A_134 = arith.constant 3 : i32
    %dma_wait3A_135 = arith.constant 0 : i32
    %dma_wait3A_136 = arith.constant 0 : i32
    %dma_wait3A_137 = tpu.memref_slice %arg6[%dma_wait3A_134, %dma_wait3A_135, %dma_wait3A_136] : memref<8x128x64xf32, #tpu.memory_space<vmem>> -> memref<1x128x64xf32, #tpu.memory_space<vmem>>
    %dma_wait3A_138 = tpu.memref_squeeze %dma_wait3A_137 : memref<1x128x64xf32, #tpu.memory_space<vmem>> -> memref<128x64xf32, #tpu.memory_space<vmem>>
    %dma_wait3A_139 = arith.constant 0 : i32
    %dma_wait3A_140 = tpu.memref_slice %arg5[%dma_wait3A_133, %dma_wait3A_139] : memref<8x128xi32, #tpu.memory_space<vmem>> -> memref<1x128xi32, #tpu.memory_space<vmem>>
    %dma_wait3A_141 = tpu.memref_squeeze %dma_wait3A_140 : memref<1x128xi32, #tpu.memory_space<vmem>> -> memref<128xi32, #tpu.memory_space<vmem>>
    %dma_wait3A_142 = arith.constant 0 : i32
    %dma_wait3A_143 = arith.constant 0 : i32
    %dma_wait3A_144 = tpu.memref_slice %arg2[%dma_wait3A_142, %dma_wait3A_143] : memref<65536x64xf32, #tpu.memory_space<hbm>> -> memref<65536x64xf32, #tpu.memory_space<hbm>>
    tpu.wait_indirect_dma semaphore(%arg7 : memref<!tpu.dma_semaphore, #tpu.memory_space<semaphore_mem>>) src(%dma_wait3A_144 : memref<65536x64xf32, #tpu.memory_space<hbm>>) dst(%dma_wait3A_138 : memref<128x64xf32, #tpu.memory_space<vmem>>)
    %dma_wait3A_145 = arith.constant 4 : i32
    %dma_wait3A_146 = arith.constant 4 : i32
    %dma_wait3A_147 = arith.constant 0 : i32
    %dma_wait3A_148 = arith.constant 0 : i32
    %dma_wait3A_149 = tpu.memref_slice %arg6[%dma_wait3A_146, %dma_wait3A_147, %dma_wait3A_148] : memref<8x128x64xf32, #tpu.memory_space<vmem>> -> memref<1x128x64xf32, #tpu.memory_space<vmem>>
    %dma_wait3A_150 = tpu.memref_squeeze %dma_wait3A_149 : memref<1x128x64xf32, #tpu.memory_space<vmem>> -> memref<128x64xf32, #tpu.memory_space<vmem>>
    %dma_wait3A_151 = arith.constant 0 : i32
    %dma_wait3A_152 = tpu.memref_slice %arg5[%dma_wait3A_145, %dma_wait3A_151] : memref<8x128xi32, #tpu.memory_space<vmem>> -> memref<1x128xi32, #tpu.memory_space<vmem>>
    %dma_wait3A_153 = tpu.memref_squeeze %dma_wait3A_152 : memref<1x128xi32, #tpu.memory_space<vmem>> -> memref<128xi32, #tpu.memory_space<vmem>>
    %dma_wait3A_154 = arith.constant 0 : i32
    %dma_wait3A_155 = arith.constant 0 : i32
    %dma_wait3A_156 = tpu.memref_slice %arg2[%dma_wait3A_154, %dma_wait3A_155] : memref<65536x64xf32, #tpu.memory_space<hbm>> -> memref<65536x64xf32, #tpu.memory_space<hbm>>
    tpu.wait_indirect_dma semaphore(%arg7 : memref<!tpu.dma_semaphore, #tpu.memory_space<semaphore_mem>>) src(%dma_wait3A_156 : memref<65536x64xf32, #tpu.memory_space<hbm>>) dst(%dma_wait3A_150 : memref<128x64xf32, #tpu.memory_space<vmem>>)
    %dma_wait3A_157 = arith.constant 5 : i32
    %dma_wait3A_158 = arith.constant 5 : i32
    %dma_wait3A_159 = arith.constant 0 : i32
    %dma_wait3A_160 = arith.constant 0 : i32
    %dma_wait3A_161 = tpu.memref_slice %arg6[%dma_wait3A_158, %dma_wait3A_159, %dma_wait3A_160] : memref<8x128x64xf32, #tpu.memory_space<vmem>> -> memref<1x128x64xf32, #tpu.memory_space<vmem>>
    %dma_wait3A_162 = tpu.memref_squeeze %dma_wait3A_161 : memref<1x128x64xf32, #tpu.memory_space<vmem>> -> memref<128x64xf32, #tpu.memory_space<vmem>>
    %dma_wait3A_163 = arith.constant 0 : i32
    %dma_wait3A_164 = tpu.memref_slice %arg5[%dma_wait3A_157, %dma_wait3A_163] : memref<8x128xi32, #tpu.memory_space<vmem>> -> memref<1x128xi32, #tpu.memory_space<vmem>>
    %dma_wait3A_165 = tpu.memref_squeeze %dma_wait3A_164 : memref<1x128xi32, #tpu.memory_space<vmem>> -> memref<128xi32, #tpu.memory_space<vmem>>
    %dma_wait3A_166 = arith.constant 0 : i32
    %dma_wait3A_167 = arith.constant 0 : i32
    %dma_wait3A_168 = tpu.memref_slice %arg2[%dma_wait3A_166, %dma_wait3A_167] : memref<65536x64xf32, #tpu.memory_space<hbm>> -> memref<65536x64xf32, #tpu.memory_space<hbm>>
    tpu.wait_indirect_dma semaphore(%arg7 : memref<!tpu.dma_semaphore, #tpu.memory_space<semaphore_mem>>) src(%dma_wait3A_168 : memref<65536x64xf32, #tpu.memory_space<hbm>>) dst(%dma_wait3A_162 : memref<128x64xf32, #tpu.memory_space<vmem>>)
    %dma_wait3A_169 = arith.constant 6 : i32
    %dma_wait3A_170 = arith.constant 6 : i32
    %dma_wait3A_171 = arith.constant 0 : i32
    %dma_wait3A_172 = arith.constant 0 : i32
    %dma_wait3A_173 = tpu.memref_slice %arg6[%dma_wait3A_170, %dma_wait3A_171, %dma_wait3A_172] : memref<8x128x64xf32, #tpu.memory_space<vmem>> -> memref<1x128x64xf32, #tpu.memory_space<vmem>>
    %dma_wait3A_174 = tpu.memref_squeeze %dma_wait3A_173 : memref<1x128x64xf32, #tpu.memory_space<vmem>> -> memref<128x64xf32, #tpu.memory_space<vmem>>
    %dma_wait3A_175 = arith.constant 0 : i32
    %dma_wait3A_176 = tpu.memref_slice %arg5[%dma_wait3A_169, %dma_wait3A_175] : memref<8x128xi32, #tpu.memory_space<vmem>> -> memref<1x128xi32, #tpu.memory_space<vmem>>
    %dma_wait3A_177 = tpu.memref_squeeze %dma_wait3A_176 : memref<1x128xi32, #tpu.memory_space<vmem>> -> memref<128xi32, #tpu.memory_space<vmem>>
    %dma_wait3A_178 = arith.constant 0 : i32
    %dma_wait3A_179 = arith.constant 0 : i32
    %dma_wait3A_180 = tpu.memref_slice %arg2[%dma_wait3A_178, %dma_wait3A_179] : memref<65536x64xf32, #tpu.memory_space<hbm>> -> memref<65536x64xf32, #tpu.memory_space<hbm>>
    tpu.wait_indirect_dma semaphore(%arg7 : memref<!tpu.dma_semaphore, #tpu.memory_space<semaphore_mem>>) src(%dma_wait3A_180 : memref<65536x64xf32, #tpu.memory_space<hbm>>) dst(%dma_wait3A_174 : memref<128x64xf32, #tpu.memory_space<vmem>>)
    %dma_wait3A_181 = arith.constant 7 : i32
    %dma_wait3A_182 = arith.constant 7 : i32
    %dma_wait3A_183 = arith.constant 0 : i32
    %dma_wait3A_184 = arith.constant 0 : i32
    %dma_wait3A_185 = tpu.memref_slice %arg6[%dma_wait3A_182, %dma_wait3A_183, %dma_wait3A_184] : memref<8x128x64xf32, #tpu.memory_space<vmem>> -> memref<1x128x64xf32, #tpu.memory_space<vmem>>
    %dma_wait3A_186 = tpu.memref_squeeze %dma_wait3A_185 : memref<1x128x64xf32, #tpu.memory_space<vmem>> -> memref<128x64xf32, #tpu.memory_space<vmem>>
    %dma_wait3A_187 = arith.constant 0 : i32
    %dma_wait3A_188 = tpu.memref_slice %arg5[%dma_wait3A_181, %dma_wait3A_187] : memref<8x128xi32, #tpu.memory_space<vmem>> -> memref<1x128xi32, #tpu.memory_space<vmem>>
    %dma_wait3A_189 = tpu.memref_squeeze %dma_wait3A_188 : memref<1x128xi32, #tpu.memory_space<vmem>> -> memref<128xi32, #tpu.memory_space<vmem>>
    %dma_wait3A_190 = arith.constant 0 : i32
    %dma_wait3A_191 = arith.constant 0 : i32
    %dma_wait3A_192 = tpu.memref_slice %arg2[%dma_wait3A_190, %dma_wait3A_191] : memref<65536x64xf32, #tpu.memory_space<hbm>> -> memref<65536x64xf32, #tpu.memory_space<hbm>>
    tpu.wait_indirect_dma semaphore(%arg7 : memref<!tpu.dma_semaphore, #tpu.memory_space<semaphore_mem>>) src(%dma_wait3A_192 : memref<65536x64xf32, #tpu.memory_space<hbm>>) dst(%dma_wait3A_186 : memref<128x64xf32, #tpu.memory_space<vmem>>)
    "tpu.region"() ({
      %run_scoped3A = tpu.sem_alloc : memref<!tpu.dma_semaphore, #tpu.memory_space<semaphore_mem>>
      %dma_start3A_193 = arith.constant 0 : i32
      %dma_start3A_194 = arith.constant 0 : i32
      %dma_start3A_195 = tpu.memref_slice %arg4[%mul3A_2, %dma_start3A_193, %dma_start3A_194] : memref<256x128x64xf32, #tpu.memory_space<hbm>> -> memref<8x128x64xf32, #tpu.memory_space<hbm>>
      %dma_start3A_196 = arith.constant 0 : i32
      %dma_start3A_197 = arith.constant 0 : i32
      %dma_start3A_198 = tpu.memref_slice %arg4[%mul3A_2, %dma_start3A_196, %dma_start3A_197] : memref<256x128x64xf32, #tpu.memory_space<hbm>> -> memref<8x128x64xf32, #tpu.memory_space<hbm>>
      tpu.enqueue_dma source(%arg6 : memref<8x128x64xf32, #tpu.memory_space<vmem>>) target(%dma_start3A_198 : memref<8x128x64xf32, #tpu.memory_space<hbm>>) target_semaphore(%run_scoped3A : memref<!tpu.dma_semaphore, #tpu.memory_space<semaphore_mem>>)
      %dma_wait3A_199 = arith.constant 0 : i32
      %dma_wait3A_200 = arith.constant 0 : i32
      %dma_wait3A_201 = tpu.memref_slice %arg4[%mul3A_2, %dma_wait3A_199, %dma_wait3A_200] : memref<256x128x64xf32, #tpu.memory_space<hbm>> -> memref<8x128x64xf32, #tpu.memory_space<hbm>>
      %dma_wait3A_202 = arith.constant 0 : i32
      %dma_wait3A_203 = arith.constant 0 : i32
      %dma_wait3A_204 = tpu.memref_slice %arg4[%mul3A_2, %dma_wait3A_202, %dma_wait3A_203] : memref<256x128x64xf32, #tpu.memory_space<hbm>> -> memref<8x128x64xf32, #tpu.memory_space<hbm>>
      tpu.wait_dma2 semaphore(%run_scoped3A : memref<!tpu.dma_semaphore, #tpu.memory_space<semaphore_mem>>) src(%arg6 : memref<8x128x64xf32, #tpu.memory_space<vmem>>) dst(%dma_wait3A_204 : memref<8x128x64xf32, #tpu.memory_space<hbm>>)
      tpu.yield
    }) : () -> ()
    return
  }
}

module attributes {stable_mosaic.version = 14 : i64} {
  func.func @_tc1_body(%arg0: i32, %arg1: i32, %arg2: memref<1x1x64x1024xf32, #tpu.memory_space<vmem>>, %arg3: memref<1x8192x64xf32, #tpu.memory_space<vmem>>, %arg4: memref<1x1x1024x1xi32, #tpu.memory_space<vmem>>, %arg5: memref<1x1x1024x1xi32, #tpu.memory_space<vmem>>) attributes {dimension_semantics = [#tpu.dimension_semantics<arbitrary>, #tpu.dimension_semantics<arbitrary>], iteration_bounds = array<i64: 8, 4>, scalar_prefetch = 0 : i64, scratch_operands = 0 : i64, tpu.core_type = #tpu.core_type<tc>, window_params = [{transform_indices = @transform_0, window_bounds = array<i64: 1, 1, 64, 1024>}, {transform_indices = @transform_1, window_bounds = array<i64: 1, 8192, 64>}, {transform_indices = @transform_2, window_bounds = array<i64: 1, 1, 1024, 1>}, {transform_indices = @transform_3, window_bounds = array<i64: 1, 1, 1024, 1>}]} {
    %get3A = arith.constant 0 : index
    %get3A_0 = arith.constant 0 : index
    %get3A_1 = arith.constant 0 : index
    %get3A_2 = arith.constant 0 : index
    %get3A_3 = vector.load %arg2[%get3A, %get3A_0, %get3A_1, %get3A_2] : memref<1x1x64x1024xf32, #tpu.memory_space<vmem>>, vector<1x1x64x1024xf32>
    %get3A_4 = vector.shape_cast %get3A_3 : vector<1x1x64x1024xf32> to vector<64x1024xf32>
    %broadcast_in_dim3A = arith.constant 1.000000e+00 : f32
    %broadcast_in_dim3A_5 = vector.broadcast %broadcast_in_dim3A : f32 to vector<1x64xf32>
    %mul3A = arith.constant 1.12589991E+15 : f32
    %mul3A_6 = vector.broadcast %mul3A : f32 to vector<64x1024xf32>
    %mul3A_7 = arith.mulf %get3A_4, %mul3A_6 : vector<64x1024xf32>
    %mul3A_8 = arith.mulf %mul3A_7, %get3A_4 : vector<64x1024xf32>
    %dot_general3A = arith.constant dense<0.000000e+00> : vector<1024x1xf32>
    %dot_general3A_9 = tpu.matmul %mul3A_8, %broadcast_in_dim3A_5, %dot_general3A {dimension_numbers = #tpu.dot_dimension_numbers<[0], [1], [1], [0], [0, 1, 1, 0], [], []>, transpose_lhs_hint = false} : vector<64x1024xf32>, vector<1x64xf32>, vector<1024x1xf32> -> vector<1024x1xf32>
    %broadcast_in_dim3A_10 = arith.constant 0x7F800000 : f32
    %broadcast_in_dim3A_11 = vector.broadcast %broadcast_in_dim3A_10 : f32 to vector<1024x1xf32>
    %broadcast_in_dim3A_12 = arith.constant 0.000000e+00 : f32
    %broadcast_in_dim3A_13 = vector.broadcast %broadcast_in_dim3A_12 : f32 to vector<1024x1xf32>
    %get3A_14 = arith.constant 0 : index
    %get3A_15 = arith.constant 0 : index
    %get3A_16 = arith.constant 0 : index
    %get3A_17 = vector.load %arg3[%get3A_14, %get3A_15, %get3A_16] : memref<1x8192x64xf32, #tpu.memory_space<vmem>>, vector<1x1024x64xf32>
    %get3A_18 = vector.shape_cast %get3A_17 : vector<1x1024x64xf32> to vector<1024x64xf32>
    %mul3A_19 = arith.constant 1.12589991E+15 : f32
    %mul3A_20 = vector.broadcast %mul3A_19 : f32 to vector<1024x64xf32>
    %mul3A_21 = arith.mulf %get3A_18, %mul3A_20 : vector<1024x64xf32>
    %mul3A_22 = arith.mulf %mul3A_21, %get3A_18 : vector<1024x64xf32>
    %dot_general3A_23 = arith.constant dense<0.000000e+00> : vector<1x1024xf32>
    %dot_general3A_24 = tpu.matmul %broadcast_in_dim3A_5, %mul3A_22, %dot_general3A_23 {dimension_numbers = #tpu.dot_dimension_numbers<[1], [1], [0], [0], [0, 0, 1, 0], [], []>, transpose_lhs_hint = false} : vector<1x64xf32>, vector<1024x64xf32>, vector<1x1024xf32> -> vector<1x1024xf32>
    %mul3A_25 = arith.constant -2.25179981E+15 : f32
    %mul3A_26 = vector.broadcast %mul3A_25 : f32 to vector<1024x64xf32>
    %mul3A_27 = arith.mulf %mul3A_26, %get3A_18 : vector<1024x64xf32>
    %dot_general3A_28 = arith.constant dense<0.000000e+00> : vector<1024x1024xf32>
    %dot_general3A_29 = tpu.matmul %get3A_4, %mul3A_27, %dot_general3A_28 {dimension_numbers = #tpu.dot_dimension_numbers<[0], [1], [1], [0], [0, 1, 1, 0], [], []>, transpose_lhs_hint = false} : vector<64x1024xf32>, vector<1024x64xf32>, vector<1024x1024xf32> -> vector<1024x1024xf32>
    %add3A = vector.broadcast %dot_general3A_9 : vector<1024x1xf32> to vector<1024x1024xf32>
    %add3A_30 = vector.broadcast %dot_general3A_24 : vector<1x1024xf32> to vector<1024x1024xf32>
    %add3A_31 = arith.addf %add3A, %add3A_30 : vector<1024x1024xf32>
    %add3A_32 = arith.addf %add3A_31, %dot_general3A_29 : vector<1024x1024xf32>
    %reduce_min3A = arith.constant dense<0x7F800000> : vector<1024xf32>
    %reduce_min3A_33 = vector.multi_reduction <minimumf>, %add3A_32, %reduce_min3A [1] : vector<1024x1024xf32> to vector<1024xf32>
    %broadcast_in_dim3A_34 = vector.shape_cast %reduce_min3A_33 : vector<1024xf32> to vector<1024x1xf32>
    %iota3A = tpu.iota {dimensions = array<i32: 1>} : vector<1x1024xi32>
    %convert_element_type3A = arith.sitofp %iota3A : vector<1x1024xi32> to vector<1x1024xf32>
    %add3A_35 = arith.constant 0.000000e+00 : f32
    %add3A_36 = vector.broadcast %add3A_35 : f32 to vector<1x1024xf32>
    %add3A_37 = arith.addf %convert_element_type3A, %add3A_36 : vector<1x1024xf32>
    %mul3A_38 = arith.constant 1.22070313E-4 : f32
    %mul3A_39 = vector.broadcast %mul3A_38 : f32 to vector<1x1024xf32>
    %mul3A_40 = arith.mulf %add3A_37, %mul3A_39 : vector<1x1024xf32>
    %sub3A = vector.broadcast %broadcast_in_dim3A_34 : vector<1024x1xf32> to vector<1024x1024xf32>
    %sub3A_41 = arith.subf %add3A_32, %sub3A : vector<1024x1024xf32>
    %add3A_42 = vector.broadcast %mul3A_40 : vector<1x1024xf32> to vector<1024x1024xf32>
    %add3A_43 = arith.addf %sub3A_41, %add3A_42 : vector<1024x1024xf32>
    %reduce_min3A_44 = arith.constant dense<0x7F800000> : vector<1024xf32>
    %reduce_min3A_45 = vector.multi_reduction <minimumf>, %add3A_43, %reduce_min3A_44 [1] : vector<1024x1024xf32> to vector<1024xf32>
    %broadcast_in_dim3A_46 = vector.shape_cast %reduce_min3A_45 : vector<1024xf32> to vector<1024x1xf32>
    %lt3A = arith.cmpf olt, %broadcast_in_dim3A_34, %broadcast_in_dim3A_11 : vector<1024x1xf32>
    %select_n3A = arith.select %lt3A, %broadcast_in_dim3A_46, %broadcast_in_dim3A_13 : vector<1024x1xi1>, vector<1024x1xf32>
    %select_n3A_47 = arith.select %lt3A, %broadcast_in_dim3A_34, %broadcast_in_dim3A_11 : vector<1024x1xi1>, vector<1024x1xf32>
    %get3A_48 = arith.constant 0 : index
    %get3A_49 = arith.constant 1024 : index
    %get3A_50 = arith.constant 0 : index
    %get3A_51 = vector.load %arg3[%get3A_48, %get3A_49, %get3A_50] : memref<1x8192x64xf32, #tpu.memory_space<vmem>>, vector<1x1024x64xf32>
    %get3A_52 = vector.shape_cast %get3A_51 : vector<1x1024x64xf32> to vector<1024x64xf32>
    %mul3A_53 = arith.constant 1.12589991E+15 : f32
    %mul3A_54 = vector.broadcast %mul3A_53 : f32 to vector<1024x64xf32>
    %mul3A_55 = arith.mulf %get3A_52, %mul3A_54 : vector<1024x64xf32>
    %mul3A_56 = arith.mulf %mul3A_55, %get3A_52 : vector<1024x64xf32>
    %dot_general3A_57 = arith.constant dense<0.000000e+00> : vector<1x1024xf32>
    %dot_general3A_58 = tpu.matmul %broadcast_in_dim3A_5, %mul3A_56, %dot_general3A_57 {dimension_numbers = #tpu.dot_dimension_numbers<[1], [1], [0], [0], [0, 0, 1, 0], [], []>, transpose_lhs_hint = false} : vector<1x64xf32>, vector<1024x64xf32>, vector<1x1024xf32> -> vector<1x1024xf32>
    %mul3A_59 = arith.constant -2.25179981E+15 : f32
    %mul3A_60 = vector.broadcast %mul3A_59 : f32 to vector<1024x64xf32>
    %mul3A_61 = arith.mulf %mul3A_60, %get3A_52 : vector<1024x64xf32>
    %dot_general3A_62 = arith.constant dense<0.000000e+00> : vector<1024x1024xf32>
    %dot_general3A_63 = tpu.matmul %get3A_4, %mul3A_61, %dot_general3A_62 {dimension_numbers = #tpu.dot_dimension_numbers<[0], [1], [1], [0], [0, 1, 1, 0], [], []>, transpose_lhs_hint = false} : vector<64x1024xf32>, vector<1024x64xf32>, vector<1024x1024xf32> -> vector<1024x1024xf32>
    %add3A_64 = vector.broadcast %dot_general3A_9 : vector<1024x1xf32> to vector<1024x1024xf32>
    %add3A_65 = vector.broadcast %dot_general3A_58 : vector<1x1024xf32> to vector<1024x1024xf32>
    %add3A_66 = arith.addf %add3A_64, %add3A_65 : vector<1024x1024xf32>
    %add3A_67 = arith.addf %add3A_66, %dot_general3A_63 : vector<1024x1024xf32>
    %reduce_min3A_68 = arith.constant dense<0x7F800000> : vector<1024xf32>
    %reduce_min3A_69 = vector.multi_reduction <minimumf>, %add3A_67, %reduce_min3A_68 [1] : vector<1024x1024xf32> to vector<1024xf32>
    %broadcast_in_dim3A_70 = vector.shape_cast %reduce_min3A_69 : vector<1024xf32> to vector<1024x1xf32>
    %iota3A_71 = tpu.iota {dimensions = array<i32: 1>} : vector<1x1024xi32>
    %convert_element_type3A_72 = arith.sitofp %iota3A_71 : vector<1x1024xi32> to vector<1x1024xf32>
    %add3A_73 = arith.constant 1.024000e+03 : f32
    %add3A_74 = vector.broadcast %add3A_73 : f32 to vector<1x1024xf32>
    %add3A_75 = arith.addf %convert_element_type3A_72, %add3A_74 : vector<1x1024xf32>
    %mul3A_76 = arith.constant 1.22070313E-4 : f32
    %mul3A_77 = vector.broadcast %mul3A_76 : f32 to vector<1x1024xf32>
    %mul3A_78 = arith.mulf %add3A_75, %mul3A_77 : vector<1x1024xf32>
    %sub3A_79 = vector.broadcast %broadcast_in_dim3A_70 : vector<1024x1xf32> to vector<1024x1024xf32>
    %sub3A_80 = arith.subf %add3A_67, %sub3A_79 : vector<1024x1024xf32>
    %add3A_81 = vector.broadcast %mul3A_78 : vector<1x1024xf32> to vector<1024x1024xf32>
    %add3A_82 = arith.addf %sub3A_80, %add3A_81 : vector<1024x1024xf32>
    %reduce_min3A_83 = arith.constant dense<0x7F800000> : vector<1024xf32>
    %reduce_min3A_84 = vector.multi_reduction <minimumf>, %add3A_82, %reduce_min3A_83 [1] : vector<1024x1024xf32> to vector<1024xf32>
    %broadcast_in_dim3A_85 = vector.shape_cast %reduce_min3A_84 : vector<1024xf32> to vector<1024x1xf32>
    %lt3A_86 = arith.cmpf olt, %broadcast_in_dim3A_70, %select_n3A_47 : vector<1024x1xf32>
    %select_n3A_87 = arith.select %lt3A_86, %broadcast_in_dim3A_85, %select_n3A : vector<1024x1xi1>, vector<1024x1xf32>
    %select_n3A_88 = arith.select %lt3A_86, %broadcast_in_dim3A_70, %select_n3A_47 : vector<1024x1xi1>, vector<1024x1xf32>
    %get3A_89 = arith.constant 0 : index
    %get3A_90 = arith.constant 2048 : index
    %get3A_91 = arith.constant 0 : index
    %get3A_92 = vector.load %arg3[%get3A_89, %get3A_90, %get3A_91] : memref<1x8192x64xf32, #tpu.memory_space<vmem>>, vector<1x1024x64xf32>
    %get3A_93 = vector.shape_cast %get3A_92 : vector<1x1024x64xf32> to vector<1024x64xf32>
    %mul3A_94 = arith.constant 1.12589991E+15 : f32
    %mul3A_95 = vector.broadcast %mul3A_94 : f32 to vector<1024x64xf32>
    %mul3A_96 = arith.mulf %get3A_93, %mul3A_95 : vector<1024x64xf32>
    %mul3A_97 = arith.mulf %mul3A_96, %get3A_93 : vector<1024x64xf32>
    %dot_general3A_98 = arith.constant dense<0.000000e+00> : vector<1x1024xf32>
    %dot_general3A_99 = tpu.matmul %broadcast_in_dim3A_5, %mul3A_97, %dot_general3A_98 {dimension_numbers = #tpu.dot_dimension_numbers<[1], [1], [0], [0], [0, 0, 1, 0], [], []>, transpose_lhs_hint = false} : vector<1x64xf32>, vector<1024x64xf32>, vector<1x1024xf32> -> vector<1x1024xf32>
    %mul3A_100 = arith.constant -2.25179981E+15 : f32
    %mul3A_101 = vector.broadcast %mul3A_100 : f32 to vector<1024x64xf32>
    %mul3A_102 = arith.mulf %mul3A_101, %get3A_93 : vector<1024x64xf32>
    %dot_general3A_103 = arith.constant dense<0.000000e+00> : vector<1024x1024xf32>
    %dot_general3A_104 = tpu.matmul %get3A_4, %mul3A_102, %dot_general3A_103 {dimension_numbers = #tpu.dot_dimension_numbers<[0], [1], [1], [0], [0, 1, 1, 0], [], []>, transpose_lhs_hint = false} : vector<64x1024xf32>, vector<1024x64xf32>, vector<1024x1024xf32> -> vector<1024x1024xf32>
    %add3A_105 = vector.broadcast %dot_general3A_9 : vector<1024x1xf32> to vector<1024x1024xf32>
    %add3A_106 = vector.broadcast %dot_general3A_99 : vector<1x1024xf32> to vector<1024x1024xf32>
    %add3A_107 = arith.addf %add3A_105, %add3A_106 : vector<1024x1024xf32>
    %add3A_108 = arith.addf %add3A_107, %dot_general3A_104 : vector<1024x1024xf32>
    %reduce_min3A_109 = arith.constant dense<0x7F800000> : vector<1024xf32>
    %reduce_min3A_110 = vector.multi_reduction <minimumf>, %add3A_108, %reduce_min3A_109 [1] : vector<1024x1024xf32> to vector<1024xf32>
    %broadcast_in_dim3A_111 = vector.shape_cast %reduce_min3A_110 : vector<1024xf32> to vector<1024x1xf32>
    %iota3A_112 = tpu.iota {dimensions = array<i32: 1>} : vector<1x1024xi32>
    %convert_element_type3A_113 = arith.sitofp %iota3A_112 : vector<1x1024xi32> to vector<1x1024xf32>
    %add3A_114 = arith.constant 2.048000e+03 : f32
    %add3A_115 = vector.broadcast %add3A_114 : f32 to vector<1x1024xf32>
    %add3A_116 = arith.addf %convert_element_type3A_113, %add3A_115 : vector<1x1024xf32>
    %mul3A_117 = arith.constant 1.22070313E-4 : f32
    %mul3A_118 = vector.broadcast %mul3A_117 : f32 to vector<1x1024xf32>
    %mul3A_119 = arith.mulf %add3A_116, %mul3A_118 : vector<1x1024xf32>
    %sub3A_120 = vector.broadcast %broadcast_in_dim3A_111 : vector<1024x1xf32> to vector<1024x1024xf32>
    %sub3A_121 = arith.subf %add3A_108, %sub3A_120 : vector<1024x1024xf32>
    %add3A_122 = vector.broadcast %mul3A_119 : vector<1x1024xf32> to vector<1024x1024xf32>
    %add3A_123 = arith.addf %sub3A_121, %add3A_122 : vector<1024x1024xf32>
    %reduce_min3A_124 = arith.constant dense<0x7F800000> : vector<1024xf32>
    %reduce_min3A_125 = vector.multi_reduction <minimumf>, %add3A_123, %reduce_min3A_124 [1] : vector<1024x1024xf32> to vector<1024xf32>
    %broadcast_in_dim3A_126 = vector.shape_cast %reduce_min3A_125 : vector<1024xf32> to vector<1024x1xf32>
    %lt3A_127 = arith.cmpf olt, %broadcast_in_dim3A_111, %select_n3A_88 : vector<1024x1xf32>
    %select_n3A_128 = arith.select %lt3A_127, %broadcast_in_dim3A_126, %select_n3A_87 : vector<1024x1xi1>, vector<1024x1xf32>
    %select_n3A_129 = arith.select %lt3A_127, %broadcast_in_dim3A_111, %select_n3A_88 : vector<1024x1xi1>, vector<1024x1xf32>
    %get3A_130 = arith.constant 0 : index
    %get3A_131 = arith.constant 3072 : index
    %get3A_132 = arith.constant 0 : index
    %get3A_133 = vector.load %arg3[%get3A_130, %get3A_131, %get3A_132] : memref<1x8192x64xf32, #tpu.memory_space<vmem>>, vector<1x1024x64xf32>
    %get3A_134 = vector.shape_cast %get3A_133 : vector<1x1024x64xf32> to vector<1024x64xf32>
    %mul3A_135 = arith.constant 1.12589991E+15 : f32
    %mul3A_136 = vector.broadcast %mul3A_135 : f32 to vector<1024x64xf32>
    %mul3A_137 = arith.mulf %get3A_134, %mul3A_136 : vector<1024x64xf32>
    %mul3A_138 = arith.mulf %mul3A_137, %get3A_134 : vector<1024x64xf32>
    %dot_general3A_139 = arith.constant dense<0.000000e+00> : vector<1x1024xf32>
    %dot_general3A_140 = tpu.matmul %broadcast_in_dim3A_5, %mul3A_138, %dot_general3A_139 {dimension_numbers = #tpu.dot_dimension_numbers<[1], [1], [0], [0], [0, 0, 1, 0], [], []>, transpose_lhs_hint = false} : vector<1x64xf32>, vector<1024x64xf32>, vector<1x1024xf32> -> vector<1x1024xf32>
    %mul3A_141 = arith.constant -2.25179981E+15 : f32
    %mul3A_142 = vector.broadcast %mul3A_141 : f32 to vector<1024x64xf32>
    %mul3A_143 = arith.mulf %mul3A_142, %get3A_134 : vector<1024x64xf32>
    %dot_general3A_144 = arith.constant dense<0.000000e+00> : vector<1024x1024xf32>
    %dot_general3A_145 = tpu.matmul %get3A_4, %mul3A_143, %dot_general3A_144 {dimension_numbers = #tpu.dot_dimension_numbers<[0], [1], [1], [0], [0, 1, 1, 0], [], []>, transpose_lhs_hint = false} : vector<64x1024xf32>, vector<1024x64xf32>, vector<1024x1024xf32> -> vector<1024x1024xf32>
    %add3A_146 = vector.broadcast %dot_general3A_9 : vector<1024x1xf32> to vector<1024x1024xf32>
    %add3A_147 = vector.broadcast %dot_general3A_140 : vector<1x1024xf32> to vector<1024x1024xf32>
    %add3A_148 = arith.addf %add3A_146, %add3A_147 : vector<1024x1024xf32>
    %add3A_149 = arith.addf %add3A_148, %dot_general3A_145 : vector<1024x1024xf32>
    %reduce_min3A_150 = arith.constant dense<0x7F800000> : vector<1024xf32>
    %reduce_min3A_151 = vector.multi_reduction <minimumf>, %add3A_149, %reduce_min3A_150 [1] : vector<1024x1024xf32> to vector<1024xf32>
    %broadcast_in_dim3A_152 = vector.shape_cast %reduce_min3A_151 : vector<1024xf32> to vector<1024x1xf32>
    %iota3A_153 = tpu.iota {dimensions = array<i32: 1>} : vector<1x1024xi32>
    %convert_element_type3A_154 = arith.sitofp %iota3A_153 : vector<1x1024xi32> to vector<1x1024xf32>
    %add3A_155 = arith.constant 3.072000e+03 : f32
    %add3A_156 = vector.broadcast %add3A_155 : f32 to vector<1x1024xf32>
    %add3A_157 = arith.addf %convert_element_type3A_154, %add3A_156 : vector<1x1024xf32>
    %mul3A_158 = arith.constant 1.22070313E-4 : f32
    %mul3A_159 = vector.broadcast %mul3A_158 : f32 to vector<1x1024xf32>
    %mul3A_160 = arith.mulf %add3A_157, %mul3A_159 : vector<1x1024xf32>
    %sub3A_161 = vector.broadcast %broadcast_in_dim3A_152 : vector<1024x1xf32> to vector<1024x1024xf32>
    %sub3A_162 = arith.subf %add3A_149, %sub3A_161 : vector<1024x1024xf32>
    %add3A_163 = vector.broadcast %mul3A_160 : vector<1x1024xf32> to vector<1024x1024xf32>
    %add3A_164 = arith.addf %sub3A_162, %add3A_163 : vector<1024x1024xf32>
    %reduce_min3A_165 = arith.constant dense<0x7F800000> : vector<1024xf32>
    %reduce_min3A_166 = vector.multi_reduction <minimumf>, %add3A_164, %reduce_min3A_165 [1] : vector<1024x1024xf32> to vector<1024xf32>
    %broadcast_in_dim3A_167 = vector.shape_cast %reduce_min3A_166 : vector<1024xf32> to vector<1024x1xf32>
    %lt3A_168 = arith.cmpf olt, %broadcast_in_dim3A_152, %select_n3A_129 : vector<1024x1xf32>
    %select_n3A_169 = arith.select %lt3A_168, %broadcast_in_dim3A_167, %select_n3A_128 : vector<1024x1xi1>, vector<1024x1xf32>
    %select_n3A_170 = arith.select %lt3A_168, %broadcast_in_dim3A_152, %select_n3A_129 : vector<1024x1xi1>, vector<1024x1xf32>
    %get3A_171 = arith.constant 0 : index
    %get3A_172 = arith.constant 4096 : index
    %get3A_173 = arith.constant 0 : index
    %get3A_174 = vector.load %arg3[%get3A_171, %get3A_172, %get3A_173] : memref<1x8192x64xf32, #tpu.memory_space<vmem>>, vector<1x1024x64xf32>
    %get3A_175 = vector.shape_cast %get3A_174 : vector<1x1024x64xf32> to vector<1024x64xf32>
    %mul3A_176 = arith.constant 1.12589991E+15 : f32
    %mul3A_177 = vector.broadcast %mul3A_176 : f32 to vector<1024x64xf32>
    %mul3A_178 = arith.mulf %get3A_175, %mul3A_177 : vector<1024x64xf32>
    %mul3A_179 = arith.mulf %mul3A_178, %get3A_175 : vector<1024x64xf32>
    %dot_general3A_180 = arith.constant dense<0.000000e+00> : vector<1x1024xf32>
    %dot_general3A_181 = tpu.matmul %broadcast_in_dim3A_5, %mul3A_179, %dot_general3A_180 {dimension_numbers = #tpu.dot_dimension_numbers<[1], [1], [0], [0], [0, 0, 1, 0], [], []>, transpose_lhs_hint = false} : vector<1x64xf32>, vector<1024x64xf32>, vector<1x1024xf32> -> vector<1x1024xf32>
    %mul3A_182 = arith.constant -2.25179981E+15 : f32
    %mul3A_183 = vector.broadcast %mul3A_182 : f32 to vector<1024x64xf32>
    %mul3A_184 = arith.mulf %mul3A_183, %get3A_175 : vector<1024x64xf32>
    %dot_general3A_185 = arith.constant dense<0.000000e+00> : vector<1024x1024xf32>
    %dot_general3A_186 = tpu.matmul %get3A_4, %mul3A_184, %dot_general3A_185 {dimension_numbers = #tpu.dot_dimension_numbers<[0], [1], [1], [0], [0, 1, 1, 0], [], []>, transpose_lhs_hint = false} : vector<64x1024xf32>, vector<1024x64xf32>, vector<1024x1024xf32> -> vector<1024x1024xf32>
    %add3A_187 = vector.broadcast %dot_general3A_9 : vector<1024x1xf32> to vector<1024x1024xf32>
    %add3A_188 = vector.broadcast %dot_general3A_181 : vector<1x1024xf32> to vector<1024x1024xf32>
    %add3A_189 = arith.addf %add3A_187, %add3A_188 : vector<1024x1024xf32>
    %add3A_190 = arith.addf %add3A_189, %dot_general3A_186 : vector<1024x1024xf32>
    %reduce_min3A_191 = arith.constant dense<0x7F800000> : vector<1024xf32>
    %reduce_min3A_192 = vector.multi_reduction <minimumf>, %add3A_190, %reduce_min3A_191 [1] : vector<1024x1024xf32> to vector<1024xf32>
    %broadcast_in_dim3A_193 = vector.shape_cast %reduce_min3A_192 : vector<1024xf32> to vector<1024x1xf32>
    %iota3A_194 = tpu.iota {dimensions = array<i32: 1>} : vector<1x1024xi32>
    %convert_element_type3A_195 = arith.sitofp %iota3A_194 : vector<1x1024xi32> to vector<1x1024xf32>
    %add3A_196 = arith.constant 4.096000e+03 : f32
    %add3A_197 = vector.broadcast %add3A_196 : f32 to vector<1x1024xf32>
    %add3A_198 = arith.addf %convert_element_type3A_195, %add3A_197 : vector<1x1024xf32>
    %mul3A_199 = arith.constant 1.22070313E-4 : f32
    %mul3A_200 = vector.broadcast %mul3A_199 : f32 to vector<1x1024xf32>
    %mul3A_201 = arith.mulf %add3A_198, %mul3A_200 : vector<1x1024xf32>
    %sub3A_202 = vector.broadcast %broadcast_in_dim3A_193 : vector<1024x1xf32> to vector<1024x1024xf32>
    %sub3A_203 = arith.subf %add3A_190, %sub3A_202 : vector<1024x1024xf32>
    %add3A_204 = vector.broadcast %mul3A_201 : vector<1x1024xf32> to vector<1024x1024xf32>
    %add3A_205 = arith.addf %sub3A_203, %add3A_204 : vector<1024x1024xf32>
    %reduce_min3A_206 = arith.constant dense<0x7F800000> : vector<1024xf32>
    %reduce_min3A_207 = vector.multi_reduction <minimumf>, %add3A_205, %reduce_min3A_206 [1] : vector<1024x1024xf32> to vector<1024xf32>
    %broadcast_in_dim3A_208 = vector.shape_cast %reduce_min3A_207 : vector<1024xf32> to vector<1024x1xf32>
    %lt3A_209 = arith.cmpf olt, %broadcast_in_dim3A_193, %select_n3A_170 : vector<1024x1xf32>
    %select_n3A_210 = arith.select %lt3A_209, %broadcast_in_dim3A_208, %select_n3A_169 : vector<1024x1xi1>, vector<1024x1xf32>
    %select_n3A_211 = arith.select %lt3A_209, %broadcast_in_dim3A_193, %select_n3A_170 : vector<1024x1xi1>, vector<1024x1xf32>
    %get3A_212 = arith.constant 0 : index
    %get3A_213 = arith.constant 5120 : index
    %get3A_214 = arith.constant 0 : index
    %get3A_215 = vector.load %arg3[%get3A_212, %get3A_213, %get3A_214] : memref<1x8192x64xf32, #tpu.memory_space<vmem>>, vector<1x1024x64xf32>
    %get3A_216 = vector.shape_cast %get3A_215 : vector<1x1024x64xf32> to vector<1024x64xf32>
    %mul3A_217 = arith.constant 1.12589991E+15 : f32
    %mul3A_218 = vector.broadcast %mul3A_217 : f32 to vector<1024x64xf32>
    %mul3A_219 = arith.mulf %get3A_216, %mul3A_218 : vector<1024x64xf32>
    %mul3A_220 = arith.mulf %mul3A_219, %get3A_216 : vector<1024x64xf32>
    %dot_general3A_221 = arith.constant dense<0.000000e+00> : vector<1x1024xf32>
    %dot_general3A_222 = tpu.matmul %broadcast_in_dim3A_5, %mul3A_220, %dot_general3A_221 {dimension_numbers = #tpu.dot_dimension_numbers<[1], [1], [0], [0], [0, 0, 1, 0], [], []>, transpose_lhs_hint = false} : vector<1x64xf32>, vector<1024x64xf32>, vector<1x1024xf32> -> vector<1x1024xf32>
    %mul3A_223 = arith.constant -2.25179981E+15 : f32
    %mul3A_224 = vector.broadcast %mul3A_223 : f32 to vector<1024x64xf32>
    %mul3A_225 = arith.mulf %mul3A_224, %get3A_216 : vector<1024x64xf32>
    %dot_general3A_226 = arith.constant dense<0.000000e+00> : vector<1024x1024xf32>
    %dot_general3A_227 = tpu.matmul %get3A_4, %mul3A_225, %dot_general3A_226 {dimension_numbers = #tpu.dot_dimension_numbers<[0], [1], [1], [0], [0, 1, 1, 0], [], []>, transpose_lhs_hint = false} : vector<64x1024xf32>, vector<1024x64xf32>, vector<1024x1024xf32> -> vector<1024x1024xf32>
    %add3A_228 = vector.broadcast %dot_general3A_9 : vector<1024x1xf32> to vector<1024x1024xf32>
    %add3A_229 = vector.broadcast %dot_general3A_222 : vector<1x1024xf32> to vector<1024x1024xf32>
    %add3A_230 = arith.addf %add3A_228, %add3A_229 : vector<1024x1024xf32>
    %add3A_231 = arith.addf %add3A_230, %dot_general3A_227 : vector<1024x1024xf32>
    %reduce_min3A_232 = arith.constant dense<0x7F800000> : vector<1024xf32>
    %reduce_min3A_233 = vector.multi_reduction <minimumf>, %add3A_231, %reduce_min3A_232 [1] : vector<1024x1024xf32> to vector<1024xf32>
    %broadcast_in_dim3A_234 = vector.shape_cast %reduce_min3A_233 : vector<1024xf32> to vector<1024x1xf32>
    %iota3A_235 = tpu.iota {dimensions = array<i32: 1>} : vector<1x1024xi32>
    %convert_element_type3A_236 = arith.sitofp %iota3A_235 : vector<1x1024xi32> to vector<1x1024xf32>
    %add3A_237 = arith.constant 5.120000e+03 : f32
    %add3A_238 = vector.broadcast %add3A_237 : f32 to vector<1x1024xf32>
    %add3A_239 = arith.addf %convert_element_type3A_236, %add3A_238 : vector<1x1024xf32>
    %mul3A_240 = arith.constant 1.22070313E-4 : f32
    %mul3A_241 = vector.broadcast %mul3A_240 : f32 to vector<1x1024xf32>
    %mul3A_242 = arith.mulf %add3A_239, %mul3A_241 : vector<1x1024xf32>
    %sub3A_243 = vector.broadcast %broadcast_in_dim3A_234 : vector<1024x1xf32> to vector<1024x1024xf32>
    %sub3A_244 = arith.subf %add3A_231, %sub3A_243 : vector<1024x1024xf32>
    %add3A_245 = vector.broadcast %mul3A_242 : vector<1x1024xf32> to vector<1024x1024xf32>
    %add3A_246 = arith.addf %sub3A_244, %add3A_245 : vector<1024x1024xf32>
    %reduce_min3A_247 = arith.constant dense<0x7F800000> : vector<1024xf32>
    %reduce_min3A_248 = vector.multi_reduction <minimumf>, %add3A_246, %reduce_min3A_247 [1] : vector<1024x1024xf32> to vector<1024xf32>
    %broadcast_in_dim3A_249 = vector.shape_cast %reduce_min3A_248 : vector<1024xf32> to vector<1024x1xf32>
    %lt3A_250 = arith.cmpf olt, %broadcast_in_dim3A_234, %select_n3A_211 : vector<1024x1xf32>
    %select_n3A_251 = arith.select %lt3A_250, %broadcast_in_dim3A_249, %select_n3A_210 : vector<1024x1xi1>, vector<1024x1xf32>
    %select_n3A_252 = arith.select %lt3A_250, %broadcast_in_dim3A_234, %select_n3A_211 : vector<1024x1xi1>, vector<1024x1xf32>
    %get3A_253 = arith.constant 0 : index
    %get3A_254 = arith.constant 6144 : index
    %get3A_255 = arith.constant 0 : index
    %get3A_256 = vector.load %arg3[%get3A_253, %get3A_254, %get3A_255] : memref<1x8192x64xf32, #tpu.memory_space<vmem>>, vector<1x1024x64xf32>
    %get3A_257 = vector.shape_cast %get3A_256 : vector<1x1024x64xf32> to vector<1024x64xf32>
    %mul3A_258 = arith.constant 1.12589991E+15 : f32
    %mul3A_259 = vector.broadcast %mul3A_258 : f32 to vector<1024x64xf32>
    %mul3A_260 = arith.mulf %get3A_257, %mul3A_259 : vector<1024x64xf32>
    %mul3A_261 = arith.mulf %mul3A_260, %get3A_257 : vector<1024x64xf32>
    %dot_general3A_262 = arith.constant dense<0.000000e+00> : vector<1x1024xf32>
    %dot_general3A_263 = tpu.matmul %broadcast_in_dim3A_5, %mul3A_261, %dot_general3A_262 {dimension_numbers = #tpu.dot_dimension_numbers<[1], [1], [0], [0], [0, 0, 1, 0], [], []>, transpose_lhs_hint = false} : vector<1x64xf32>, vector<1024x64xf32>, vector<1x1024xf32> -> vector<1x1024xf32>
    %mul3A_264 = arith.constant -2.25179981E+15 : f32
    %mul3A_265 = vector.broadcast %mul3A_264 : f32 to vector<1024x64xf32>
    %mul3A_266 = arith.mulf %mul3A_265, %get3A_257 : vector<1024x64xf32>
    %dot_general3A_267 = arith.constant dense<0.000000e+00> : vector<1024x1024xf32>
    %dot_general3A_268 = tpu.matmul %get3A_4, %mul3A_266, %dot_general3A_267 {dimension_numbers = #tpu.dot_dimension_numbers<[0], [1], [1], [0], [0, 1, 1, 0], [], []>, transpose_lhs_hint = false} : vector<64x1024xf32>, vector<1024x64xf32>, vector<1024x1024xf32> -> vector<1024x1024xf32>
    %add3A_269 = vector.broadcast %dot_general3A_9 : vector<1024x1xf32> to vector<1024x1024xf32>
    %add3A_270 = vector.broadcast %dot_general3A_263 : vector<1x1024xf32> to vector<1024x1024xf32>
    %add3A_271 = arith.addf %add3A_269, %add3A_270 : vector<1024x1024xf32>
    %add3A_272 = arith.addf %add3A_271, %dot_general3A_268 : vector<1024x1024xf32>
    %reduce_min3A_273 = arith.constant dense<0x7F800000> : vector<1024xf32>
    %reduce_min3A_274 = vector.multi_reduction <minimumf>, %add3A_272, %reduce_min3A_273 [1] : vector<1024x1024xf32> to vector<1024xf32>
    %broadcast_in_dim3A_275 = vector.shape_cast %reduce_min3A_274 : vector<1024xf32> to vector<1024x1xf32>
    %iota3A_276 = tpu.iota {dimensions = array<i32: 1>} : vector<1x1024xi32>
    %convert_element_type3A_277 = arith.sitofp %iota3A_276 : vector<1x1024xi32> to vector<1x1024xf32>
    %add3A_278 = arith.constant 6.144000e+03 : f32
    %add3A_279 = vector.broadcast %add3A_278 : f32 to vector<1x1024xf32>
    %add3A_280 = arith.addf %convert_element_type3A_277, %add3A_279 : vector<1x1024xf32>
    %mul3A_281 = arith.constant 1.22070313E-4 : f32
    %mul3A_282 = vector.broadcast %mul3A_281 : f32 to vector<1x1024xf32>
    %mul3A_283 = arith.mulf %add3A_280, %mul3A_282 : vector<1x1024xf32>
    %sub3A_284 = vector.broadcast %broadcast_in_dim3A_275 : vector<1024x1xf32> to vector<1024x1024xf32>
    %sub3A_285 = arith.subf %add3A_272, %sub3A_284 : vector<1024x1024xf32>
    %add3A_286 = vector.broadcast %mul3A_283 : vector<1x1024xf32> to vector<1024x1024xf32>
    %add3A_287 = arith.addf %sub3A_285, %add3A_286 : vector<1024x1024xf32>
    %reduce_min3A_288 = arith.constant dense<0x7F800000> : vector<1024xf32>
    %reduce_min3A_289 = vector.multi_reduction <minimumf>, %add3A_287, %reduce_min3A_288 [1] : vector<1024x1024xf32> to vector<1024xf32>
    %broadcast_in_dim3A_290 = vector.shape_cast %reduce_min3A_289 : vector<1024xf32> to vector<1024x1xf32>
    %lt3A_291 = arith.cmpf olt, %broadcast_in_dim3A_275, %select_n3A_252 : vector<1024x1xf32>
    %select_n3A_292 = arith.select %lt3A_291, %broadcast_in_dim3A_290, %select_n3A_251 : vector<1024x1xi1>, vector<1024x1xf32>
    %select_n3A_293 = arith.select %lt3A_291, %broadcast_in_dim3A_275, %select_n3A_252 : vector<1024x1xi1>, vector<1024x1xf32>
    %get3A_294 = arith.constant 0 : index
    %get3A_295 = arith.constant 7168 : index
    %get3A_296 = arith.constant 0 : index
    %get3A_297 = vector.load %arg3[%get3A_294, %get3A_295, %get3A_296] : memref<1x8192x64xf32, #tpu.memory_space<vmem>>, vector<1x1024x64xf32>
    %get3A_298 = vector.shape_cast %get3A_297 : vector<1x1024x64xf32> to vector<1024x64xf32>
    %mul3A_299 = arith.constant 1.12589991E+15 : f32
    %mul3A_300 = vector.broadcast %mul3A_299 : f32 to vector<1024x64xf32>
    %mul3A_301 = arith.mulf %get3A_298, %mul3A_300 : vector<1024x64xf32>
    %mul3A_302 = arith.mulf %mul3A_301, %get3A_298 : vector<1024x64xf32>
    %dot_general3A_303 = arith.constant dense<0.000000e+00> : vector<1x1024xf32>
    %dot_general3A_304 = tpu.matmul %broadcast_in_dim3A_5, %mul3A_302, %dot_general3A_303 {dimension_numbers = #tpu.dot_dimension_numbers<[1], [1], [0], [0], [0, 0, 1, 0], [], []>, transpose_lhs_hint = false} : vector<1x64xf32>, vector<1024x64xf32>, vector<1x1024xf32> -> vector<1x1024xf32>
    %mul3A_305 = arith.constant -2.25179981E+15 : f32
    %mul3A_306 = vector.broadcast %mul3A_305 : f32 to vector<1024x64xf32>
    %mul3A_307 = arith.mulf %mul3A_306, %get3A_298 : vector<1024x64xf32>
    %dot_general3A_308 = arith.constant dense<0.000000e+00> : vector<1024x1024xf32>
    %dot_general3A_309 = tpu.matmul %get3A_4, %mul3A_307, %dot_general3A_308 {dimension_numbers = #tpu.dot_dimension_numbers<[0], [1], [1], [0], [0, 1, 1, 0], [], []>, transpose_lhs_hint = false} : vector<64x1024xf32>, vector<1024x64xf32>, vector<1024x1024xf32> -> vector<1024x1024xf32>
    %add3A_310 = vector.broadcast %dot_general3A_9 : vector<1024x1xf32> to vector<1024x1024xf32>
    %add3A_311 = vector.broadcast %dot_general3A_304 : vector<1x1024xf32> to vector<1024x1024xf32>
    %add3A_312 = arith.addf %add3A_310, %add3A_311 : vector<1024x1024xf32>
    %add3A_313 = arith.addf %add3A_312, %dot_general3A_309 : vector<1024x1024xf32>
    %reduce_min3A_314 = arith.constant dense<0x7F800000> : vector<1024xf32>
    %reduce_min3A_315 = vector.multi_reduction <minimumf>, %add3A_313, %reduce_min3A_314 [1] : vector<1024x1024xf32> to vector<1024xf32>
    %broadcast_in_dim3A_316 = vector.shape_cast %reduce_min3A_315 : vector<1024xf32> to vector<1024x1xf32>
    %iota3A_317 = tpu.iota {dimensions = array<i32: 1>} : vector<1x1024xi32>
    %convert_element_type3A_318 = arith.sitofp %iota3A_317 : vector<1x1024xi32> to vector<1x1024xf32>
    %add3A_319 = arith.constant 7.168000e+03 : f32
    %add3A_320 = vector.broadcast %add3A_319 : f32 to vector<1x1024xf32>
    %add3A_321 = arith.addf %convert_element_type3A_318, %add3A_320 : vector<1x1024xf32>
    %mul3A_322 = arith.constant 1.22070313E-4 : f32
    %mul3A_323 = vector.broadcast %mul3A_322 : f32 to vector<1x1024xf32>
    %mul3A_324 = arith.mulf %add3A_321, %mul3A_323 : vector<1x1024xf32>
    %sub3A_325 = vector.broadcast %broadcast_in_dim3A_316 : vector<1024x1xf32> to vector<1024x1024xf32>
    %sub3A_326 = arith.subf %add3A_313, %sub3A_325 : vector<1024x1024xf32>
    %add3A_327 = vector.broadcast %mul3A_324 : vector<1x1024xf32> to vector<1024x1024xf32>
    %add3A_328 = arith.addf %sub3A_326, %add3A_327 : vector<1024x1024xf32>
    %reduce_min3A_329 = arith.constant dense<0x7F800000> : vector<1024xf32>
    %reduce_min3A_330 = vector.multi_reduction <minimumf>, %add3A_328, %reduce_min3A_329 [1] : vector<1024x1024xf32> to vector<1024xf32>
    %broadcast_in_dim3A_331 = vector.shape_cast %reduce_min3A_330 : vector<1024xf32> to vector<1024x1xf32>
    %lt3A_332 = arith.cmpf olt, %broadcast_in_dim3A_316, %select_n3A_293 : vector<1024x1xf32>
    %select_n3A_333 = arith.select %lt3A_332, %broadcast_in_dim3A_331, %select_n3A_292 : vector<1024x1xi1>, vector<1024x1xf32>
    %mul3A_334 = arith.constant 8.192000e+03 : f32
    %mul3A_335 = vector.broadcast %mul3A_334 : f32 to vector<1024x1xf32>
    %mul3A_336 = arith.mulf %select_n3A_333, %mul3A_335 : vector<1024x1xf32>
    %convert_element_type3A_337 = arith.fptosi %mul3A_336 : vector<1024x1xf32> to vector<1024x1xi32>
    %swap3A = arith.constant 0 : index
    %swap3A_338 = arith.constant 0 : index
    %swap3A_339 = arith.constant 0 : index
    %swap3A_340 = arith.constant 0 : index
    %swap3A_341 = vector.load %arg4[%swap3A, %swap3A_338, %swap3A_339, %swap3A_340] : memref<1x1x1024x1xi32, #tpu.memory_space<vmem>>, vector<1x1x1024x1xi32>
    %swap3A_342 = vector.shape_cast %swap3A_341 : vector<1x1x1024x1xi32> to vector<1024x1xi32>
    %swap3A_343 = vector.shape_cast %convert_element_type3A_337 : vector<1024x1xi32> to vector<1x1x1024x1xi32>
    tpu.vector_store %arg4[%swap3A, %swap3A_338, %swap3A_339, %swap3A_340], %swap3A_343 {strides = array<i32>} : memref<1x1x1024x1xi32, #tpu.memory_space<vmem>>, vector<1x1x1024x1xi32>,
    %mul3A_344 = arith.constant 8192 : i32
    %mul3A_345 = arith.muli %arg0, %mul3A_344 : i32
    %add3A_346 = vector.broadcast %mul3A_345 : i32 to vector<1024x1xi32>
    %add3A_347 = arith.addi %convert_element_type3A_337, %add3A_346 : vector<1024x1xi32>
    %swap3A_348 = arith.constant 0 : index
    %swap3A_349 = arith.constant 0 : index
    %swap3A_350 = arith.constant 0 : index
    %swap3A_351 = arith.constant 0 : index
    %swap3A_352 = vector.load %arg5[%swap3A_348, %swap3A_349, %swap3A_350, %swap3A_351] : memref<1x1x1024x1xi32, #tpu.memory_space<vmem>>, vector<1x1x1024x1xi32>
    %swap3A_353 = vector.shape_cast %swap3A_352 : vector<1x1x1024x1xi32> to vector<1024x1xi32>
    %swap3A_354 = vector.shape_cast %add3A_347 : vector<1024x1xi32> to vector<1x1x1024x1xi32>
    tpu.vector_store %arg5[%swap3A_348, %swap3A_349, %swap3A_350, %swap3A_351], %swap3A_354 {strides = array<i32>} : memref<1x1x1024x1xi32, #tpu.memory_space<vmem>>, vector<1x1x1024x1xi32>,
    return
  }
  func.func @transform_0(%arg0: i32, %arg1: i32) -> (i32, i32, i32, i32) {
    %c0_i32 = arith.constant 0 : i32
    %c0_i32_0 = arith.constant 0 : i32
    %c0_i32_1 = arith.constant 0 : i32
    return %arg1, %arg0, %c0_i32, %c0_i32_0 : i32, i32, i32, i32
  }
  func.func @transform_1(%arg0: i32, %arg1: i32) -> (i32, i32, i32) {
    %c0_i32 = arith.constant 0 : i32
    %c0_i32_0 = arith.constant 0 : i32
    %c0_i32_1 = arith.constant 0 : i32
    return %arg0, %c0_i32, %c0_i32_0 : i32, i32, i32
  }
  func.func @transform_2(%arg0: i32, %arg1: i32) -> (i32, i32, i32, i32) {
    %c0_i32 = arith.constant 0 : i32
    %c0_i32_0 = arith.constant 0 : i32
    %c0_i32_1 = arith.constant 0 : i32
    return %arg0, %arg1, %c0_i32, %c0_i32_0 : i32, i32, i32, i32
  }
  func.func @transform_3(%arg0: i32, %arg1: i32) -> (i32, i32, i32, i32) {
    %c0_i32 = arith.constant 0 : i32
    %c0_i32_0 = arith.constant 0 : i32
    %c0_i32_1 = arith.constant 0 : i32
    return %arg0, %arg1, %c0_i32, %c0_i32_0 : i32, i32, i32, i32
  }
}

module attributes {stable_mosaic.version = 14 : i64} {
  func.func @_tc2_body(%arg0: i32, %arg1: i32, %arg2: memref<1x1x64x1024xf32, #tpu.memory_space<vmem>>, %arg3: memref<1x1x1024x64xf32, #tpu.memory_space<vmem>>, %arg4: memref<1x8192x64xf32, #tpu.memory_space<vmem>>, %arg5: memref<1x1x1024x1xi32, #tpu.memory_space<vmem>>, %arg6: memref<1x1x1024x1xi32, #tpu.memory_space<vmem>>, %arg7: memref<1x1x64x1024xf32, #tpu.memory_space<vmem>>, %arg8: memref<1x1xf32, #tpu.memory_space<smem>>) attributes {dimension_semantics = [#tpu.dimension_semantics<arbitrary>, #tpu.dimension_semantics<arbitrary>], iteration_bounds = array<i64: 8, 4>, scalar_prefetch = 0 : i64, scratch_operands = 0 : i64, tpu.core_type = #tpu.core_type<tc>, window_params = [{transform_indices = @transform_0, window_bounds = array<i64: 1, 1, 64, 1024>}, {transform_indices = @transform_1, window_bounds = array<i64: 1, 1, 1024, 64>}, {transform_indices = @transform_2, window_bounds = array<i64: 1, 8192, 64>}, {transform_indices = @transform_3, window_bounds = array<i64: 1, 1, 1024, 1>}, {transform_indices = @transform_4, window_bounds = array<i64: 1, 1, 1024, 1>}, {transform_indices = @transform_5, window_bounds = array<i64: 1, 1, 64, 1024>}, {transform_indices = @transform_6, window_bounds = array<i64: 1, 1>}]} {
    %get3A = arith.constant 0 : index
    %get3A_0 = arith.constant 0 : index
    %get3A_1 = arith.constant 0 : index
    %get3A_2 = arith.constant 0 : index
    %get3A_3 = vector.load %arg2[%get3A, %get3A_0, %get3A_1, %get3A_2] : memref<1x1x64x1024xf32, #tpu.memory_space<vmem>>, vector<1x1x64x1024xf32>
    %get3A_4 = vector.shape_cast %get3A_3 : vector<1x1x64x1024xf32> to vector<64x1024xf32>
    %get3A_5 = arith.constant 0 : index
    %get3A_6 = arith.constant 0 : index
    %get3A_7 = arith.constant 0 : index
    %get3A_8 = arith.constant 0 : index
    %get3A_9 = vector.load %arg3[%get3A_5, %get3A_6, %get3A_7, %get3A_8] : memref<1x1x1024x64xf32, #tpu.memory_space<vmem>>, vector<1x1x1024x64xf32>
    %get3A_10 = vector.shape_cast %get3A_9 : vector<1x1x1024x64xf32> to vector<1024x64xf32>
    %transpose3A = tpu.transpose %get3A_10, [1, 0] : vector<1024x64xf32> -> vector<64x1024xf32>
    %sub3A = arith.subf %transpose3A, %get3A_4 : vector<64x1024xf32>
    %add3A = arith.addf %get3A_4, %sub3A : vector<64x1024xf32>
    %sub3A_11 = arith.subf %get3A_4, %add3A : vector<64x1024xf32>
    %eq3A = arith.constant 0 : i32
    %eq3A_12 = arith.cmpi eq, %arg0, %eq3A : i32
    %eq3A_13 = arith.constant 0 : i32
    %eq3A_14 = arith.cmpi eq, %arg1, %eq3A_13 : i32
    %and3A = arith.andi %eq3A_12, %eq3A_14 : i1
    %convert_element_type3A = arith.extui %and3A : i1 to i32
    %cond3A = arith.constant 0 : i32
    %cond3A_15 = arith.cmpi ne, %convert_element_type3A, %cond3A : i32
    scf.if %cond3A_15 {
      %swap3A_388 = arith.constant 0.000000e+00 : f32
      %swap3A_389 = arith.constant 0 : index
      %swap3A_390 = arith.constant 0 : index
      %swap3A_391 = memref.load %arg8[%swap3A_389, %swap3A_390] : memref<1x1xf32, #tpu.memory_space<smem>>
      memref.store %swap3A_388, %arg8[%swap3A_389, %swap3A_390] : memref<1x1xf32, #tpu.memory_space<smem>>
    } else {
    }
    %get3A_16 = arith.constant 0 : index
    %get3A_17 = arith.constant 0 : index
    %get3A_18 = memref.load %arg8[%get3A_16, %get3A_17] : memref<1x1xf32, #tpu.memory_space<smem>>
    %mul3A = arith.mulf %sub3A, %sub3A : vector<64x1024xf32>
    %reduce_sum3A = vector.shape_cast %mul3A : vector<64x1024xf32> to vector<1x64x1024xf32>
    %reduce_sum3A_19 = arith.constant dense<0.000000e+00> : vector<1xf32>
    %reduce_sum3A_20 = vector.multi_reduction <add>, %reduce_sum3A, %reduce_sum3A_19 [1, 2] : vector<1x64x1024xf32> to vector<1xf32>
    %reduce_sum3A_21 = vector.shape_cast %reduce_sum3A_20 : vector<1xf32> to vector<1x1x1xf32>
    %reduce_sum3A_22 = vector.extract %reduce_sum3A_21[0, 0, 0] : f32 from vector<1x1x1xf32>
    %add3A_23 = arith.addf %get3A_18, %reduce_sum3A_22 : f32
    %swap3A = arith.constant 0 : index
    %swap3A_24 = arith.constant 0 : index
    %swap3A_25 = memref.load %arg8[%swap3A, %swap3A_24] : memref<1x1xf32, #tpu.memory_space<smem>>
    memref.store %add3A_23, %arg8[%swap3A, %swap3A_24] : memref<1x1xf32, #tpu.memory_space<smem>>
    %swap3A_26 = arith.constant 0 : index
    %swap3A_27 = arith.constant 0 : index
    %swap3A_28 = arith.constant 0 : index
    %swap3A_29 = arith.constant 0 : index
    %swap3A_30 = vector.load %arg7[%swap3A_26, %swap3A_27, %swap3A_28, %swap3A_29] : memref<1x1x64x1024xf32, #tpu.memory_space<vmem>>, vector<1x1x64x1024xf32>
    %swap3A_31 = vector.shape_cast %swap3A_30 : vector<1x1x64x1024xf32> to vector<64x1024xf32>
    %swap3A_32 = vector.shape_cast %add3A : vector<64x1024xf32> to vector<1x1x64x1024xf32>
    tpu.vector_store %arg7[%swap3A_26, %swap3A_27, %swap3A_28, %swap3A_29], %swap3A_32 {strides = array<i32>} : memref<1x1x64x1024xf32, #tpu.memory_space<vmem>>, vector<1x1x64x1024xf32>,
    %broadcast_in_dim3A = arith.constant 1.000000e+00 : f32
    %broadcast_in_dim3A_33 = vector.broadcast %broadcast_in_dim3A : f32 to vector<1x64xf32>
    %mul3A_34 = arith.constant 1.12589991E+15 : f32
    %mul3A_35 = vector.broadcast %mul3A_34 : f32 to vector<64x1024xf32>
    %mul3A_36 = arith.mulf %sub3A_11, %mul3A_35 : vector<64x1024xf32>
    %mul3A_37 = arith.mulf %mul3A_36, %sub3A_11 : vector<64x1024xf32>
    %dot_general3A = arith.constant dense<0.000000e+00> : vector<1024x1xf32>
    %dot_general3A_38 = tpu.matmul %mul3A_37, %broadcast_in_dim3A_33, %dot_general3A {dimension_numbers = #tpu.dot_dimension_numbers<[0], [1], [1], [0], [0, 1, 1, 0], [], []>, transpose_lhs_hint = false} : vector<64x1024xf32>, vector<1x64xf32>, vector<1024x1xf32> -> vector<1024x1xf32>
    %broadcast_in_dim3A_39 = arith.constant 0x7F800000 : f32
    %broadcast_in_dim3A_40 = vector.broadcast %broadcast_in_dim3A_39 : f32 to vector<1024x1xf32>
    %broadcast_in_dim3A_41 = arith.constant 0.000000e+00 : f32
    %broadcast_in_dim3A_42 = vector.broadcast %broadcast_in_dim3A_41 : f32 to vector<1024x1xf32>
    %get3A_43 = arith.constant 0 : index
    %get3A_44 = arith.constant 0 : index
    %get3A_45 = arith.constant 0 : index
    %get3A_46 = vector.load %arg4[%get3A_43, %get3A_44, %get3A_45] : memref<1x8192x64xf32, #tpu.memory_space<vmem>>, vector<1x1024x64xf32>
    %get3A_47 = vector.shape_cast %get3A_46 : vector<1x1024x64xf32> to vector<1024x64xf32>
    %mul3A_48 = arith.constant 1.12589991E+15 : f32
    %mul3A_49 = vector.broadcast %mul3A_48 : f32 to vector<1024x64xf32>
    %mul3A_50 = arith.mulf %get3A_47, %mul3A_49 : vector<1024x64xf32>
    %mul3A_51 = arith.mulf %mul3A_50, %get3A_47 : vector<1024x64xf32>
    %dot_general3A_52 = arith.constant dense<0.000000e+00> : vector<1x1024xf32>
    %dot_general3A_53 = tpu.matmul %broadcast_in_dim3A_33, %mul3A_51, %dot_general3A_52 {dimension_numbers = #tpu.dot_dimension_numbers<[1], [1], [0], [0], [0, 0, 1, 0], [], []>, transpose_lhs_hint = false} : vector<1x64xf32>, vector<1024x64xf32>, vector<1x1024xf32> -> vector<1x1024xf32>
    %mul3A_54 = arith.constant -2.25179981E+15 : f32
    %mul3A_55 = vector.broadcast %mul3A_54 : f32 to vector<1024x64xf32>
    %mul3A_56 = arith.mulf %mul3A_55, %get3A_47 : vector<1024x64xf32>
    %dot_general3A_57 = arith.constant dense<0.000000e+00> : vector<1024x1024xf32>
    %dot_general3A_58 = tpu.matmul %sub3A_11, %mul3A_56, %dot_general3A_57 {dimension_numbers = #tpu.dot_dimension_numbers<[0], [1], [1], [0], [0, 1, 1, 0], [], []>, transpose_lhs_hint = false} : vector<64x1024xf32>, vector<1024x64xf32>, vector<1024x1024xf32> -> vector<1024x1024xf32>
    %add3A_59 = vector.broadcast %dot_general3A_38 : vector<1024x1xf32> to vector<1024x1024xf32>
    %add3A_60 = vector.broadcast %dot_general3A_53 : vector<1x1024xf32> to vector<1024x1024xf32>
    %add3A_61 = arith.addf %add3A_59, %add3A_60 : vector<1024x1024xf32>
    %add3A_62 = arith.addf %add3A_61, %dot_general3A_58 : vector<1024x1024xf32>
    %reduce_min3A = arith.constant dense<0x7F800000> : vector<1024xf32>
    %reduce_min3A_63 = vector.multi_reduction <minimumf>, %add3A_62, %reduce_min3A [1] : vector<1024x1024xf32> to vector<1024xf32>
    %broadcast_in_dim3A_64 = vector.shape_cast %reduce_min3A_63 : vector<1024xf32> to vector<1024x1xf32>
    %iota3A = tpu.iota {dimensions = array<i32: 1>} : vector<1x1024xi32>
    %convert_element_type3A_65 = arith.sitofp %iota3A : vector<1x1024xi32> to vector<1x1024xf32>
    %add3A_66 = arith.constant 0.000000e+00 : f32
    %add3A_67 = vector.broadcast %add3A_66 : f32 to vector<1x1024xf32>
    %add3A_68 = arith.addf %convert_element_type3A_65, %add3A_67 : vector<1x1024xf32>
    %mul3A_69 = arith.constant 1.22070313E-4 : f32
    %mul3A_70 = vector.broadcast %mul3A_69 : f32 to vector<1x1024xf32>
    %mul3A_71 = arith.mulf %add3A_68, %mul3A_70 : vector<1x1024xf32>
    %sub3A_72 = vector.broadcast %broadcast_in_dim3A_64 : vector<1024x1xf32> to vector<1024x1024xf32>
    %sub3A_73 = arith.subf %add3A_62, %sub3A_72 : vector<1024x1024xf32>
    %add3A_74 = vector.broadcast %mul3A_71 : vector<1x1024xf32> to vector<1024x1024xf32>
    %add3A_75 = arith.addf %sub3A_73, %add3A_74 : vector<1024x1024xf32>
    %reduce_min3A_76 = arith.constant dense<0x7F800000> : vector<1024xf32>
    %reduce_min3A_77 = vector.multi_reduction <minimumf>, %add3A_75, %reduce_min3A_76 [1] : vector<1024x1024xf32> to vector<1024xf32>
    %broadcast_in_dim3A_78 = vector.shape_cast %reduce_min3A_77 : vector<1024xf32> to vector<1024x1xf32>
    %lt3A = arith.cmpf olt, %broadcast_in_dim3A_64, %broadcast_in_dim3A_40 : vector<1024x1xf32>
    %select_n3A = arith.select %lt3A, %broadcast_in_dim3A_78, %broadcast_in_dim3A_42 : vector<1024x1xi1>, vector<1024x1xf32>
    %select_n3A_79 = arith.select %lt3A, %broadcast_in_dim3A_64, %broadcast_in_dim3A_40 : vector<1024x1xi1>, vector<1024x1xf32>
    %get3A_80 = arith.constant 0 : index
    %get3A_81 = arith.constant 1024 : index
    %get3A_82 = arith.constant 0 : index
    %get3A_83 = vector.load %arg4[%get3A_80, %get3A_81, %get3A_82] : memref<1x8192x64xf32, #tpu.memory_space<vmem>>, vector<1x1024x64xf32>
    %get3A_84 = vector.shape_cast %get3A_83 : vector<1x1024x64xf32> to vector<1024x64xf32>
    %mul3A_85 = arith.constant 1.12589991E+15 : f32
    %mul3A_86 = vector.broadcast %mul3A_85 : f32 to vector<1024x64xf32>
    %mul3A_87 = arith.mulf %get3A_84, %mul3A_86 : vector<1024x64xf32>
    %mul3A_88 = arith.mulf %mul3A_87, %get3A_84 : vector<1024x64xf32>
    %dot_general3A_89 = arith.constant dense<0.000000e+00> : vector<1x1024xf32>
    %dot_general3A_90 = tpu.matmul %broadcast_in_dim3A_33, %mul3A_88, %dot_general3A_89 {dimension_numbers = #tpu.dot_dimension_numbers<[1], [1], [0], [0], [0, 0, 1, 0], [], []>, transpose_lhs_hint = false} : vector<1x64xf32>, vector<1024x64xf32>, vector<1x1024xf32> -> vector<1x1024xf32>
    %mul3A_91 = arith.constant -2.25179981E+15 : f32
    %mul3A_92 = vector.broadcast %mul3A_91 : f32 to vector<1024x64xf32>
    %mul3A_93 = arith.mulf %mul3A_92, %get3A_84 : vector<1024x64xf32>
    %dot_general3A_94 = arith.constant dense<0.000000e+00> : vector<1024x1024xf32>
    %dot_general3A_95 = tpu.matmul %sub3A_11, %mul3A_93, %dot_general3A_94 {dimension_numbers = #tpu.dot_dimension_numbers<[0], [1], [1], [0], [0, 1, 1, 0], [], []>, transpose_lhs_hint = false} : vector<64x1024xf32>, vector<1024x64xf32>, vector<1024x1024xf32> -> vector<1024x1024xf32>
    %add3A_96 = vector.broadcast %dot_general3A_38 : vector<1024x1xf32> to vector<1024x1024xf32>
    %add3A_97 = vector.broadcast %dot_general3A_90 : vector<1x1024xf32> to vector<1024x1024xf32>
    %add3A_98 = arith.addf %add3A_96, %add3A_97 : vector<1024x1024xf32>
    %add3A_99 = arith.addf %add3A_98, %dot_general3A_95 : vector<1024x1024xf32>
    %reduce_min3A_100 = arith.constant dense<0x7F800000> : vector<1024xf32>
    %reduce_min3A_101 = vector.multi_reduction <minimumf>, %add3A_99, %reduce_min3A_100 [1] : vector<1024x1024xf32> to vector<1024xf32>
    %broadcast_in_dim3A_102 = vector.shape_cast %reduce_min3A_101 : vector<1024xf32> to vector<1024x1xf32>
    %iota3A_103 = tpu.iota {dimensions = array<i32: 1>} : vector<1x1024xi32>
    %convert_element_type3A_104 = arith.sitofp %iota3A_103 : vector<1x1024xi32> to vector<1x1024xf32>
    %add3A_105 = arith.constant 1.024000e+03 : f32
    %add3A_106 = vector.broadcast %add3A_105 : f32 to vector<1x1024xf32>
    %add3A_107 = arith.addf %convert_element_type3A_104, %add3A_106 : vector<1x1024xf32>
    %mul3A_108 = arith.constant 1.22070313E-4 : f32
    %mul3A_109 = vector.broadcast %mul3A_108 : f32 to vector<1x1024xf32>
    %mul3A_110 = arith.mulf %add3A_107, %mul3A_109 : vector<1x1024xf32>
    %sub3A_111 = vector.broadcast %broadcast_in_dim3A_102 : vector<1024x1xf32> to vector<1024x1024xf32>
    %sub3A_112 = arith.subf %add3A_99, %sub3A_111 : vector<1024x1024xf32>
    %add3A_113 = vector.broadcast %mul3A_110 : vector<1x1024xf32> to vector<1024x1024xf32>
    %add3A_114 = arith.addf %sub3A_112, %add3A_113 : vector<1024x1024xf32>
    %reduce_min3A_115 = arith.constant dense<0x7F800000> : vector<1024xf32>
    %reduce_min3A_116 = vector.multi_reduction <minimumf>, %add3A_114, %reduce_min3A_115 [1] : vector<1024x1024xf32> to vector<1024xf32>
    %broadcast_in_dim3A_117 = vector.shape_cast %reduce_min3A_116 : vector<1024xf32> to vector<1024x1xf32>
    %lt3A_118 = arith.cmpf olt, %broadcast_in_dim3A_102, %select_n3A_79 : vector<1024x1xf32>
    %select_n3A_119 = arith.select %lt3A_118, %broadcast_in_dim3A_117, %select_n3A : vector<1024x1xi1>, vector<1024x1xf32>
    %select_n3A_120 = arith.select %lt3A_118, %broadcast_in_dim3A_102, %select_n3A_79 : vector<1024x1xi1>, vector<1024x1xf32>
    %get3A_121 = arith.constant 0 : index
    %get3A_122 = arith.constant 2048 : index
    %get3A_123 = arith.constant 0 : index
    %get3A_124 = vector.load %arg4[%get3A_121, %get3A_122, %get3A_123] : memref<1x8192x64xf32, #tpu.memory_space<vmem>>, vector<1x1024x64xf32>
    %get3A_125 = vector.shape_cast %get3A_124 : vector<1x1024x64xf32> to vector<1024x64xf32>
    %mul3A_126 = arith.constant 1.12589991E+15 : f32
    %mul3A_127 = vector.broadcast %mul3A_126 : f32 to vector<1024x64xf32>
    %mul3A_128 = arith.mulf %get3A_125, %mul3A_127 : vector<1024x64xf32>
    %mul3A_129 = arith.mulf %mul3A_128, %get3A_125 : vector<1024x64xf32>
    %dot_general3A_130 = arith.constant dense<0.000000e+00> : vector<1x1024xf32>
    %dot_general3A_131 = tpu.matmul %broadcast_in_dim3A_33, %mul3A_129, %dot_general3A_130 {dimension_numbers = #tpu.dot_dimension_numbers<[1], [1], [0], [0], [0, 0, 1, 0], [], []>, transpose_lhs_hint = false} : vector<1x64xf32>, vector<1024x64xf32>, vector<1x1024xf32> -> vector<1x1024xf32>
    %mul3A_132 = arith.constant -2.25179981E+15 : f32
    %mul3A_133 = vector.broadcast %mul3A_132 : f32 to vector<1024x64xf32>
    %mul3A_134 = arith.mulf %mul3A_133, %get3A_125 : vector<1024x64xf32>
    %dot_general3A_135 = arith.constant dense<0.000000e+00> : vector<1024x1024xf32>
    %dot_general3A_136 = tpu.matmul %sub3A_11, %mul3A_134, %dot_general3A_135 {dimension_numbers = #tpu.dot_dimension_numbers<[0], [1], [1], [0], [0, 1, 1, 0], [], []>, transpose_lhs_hint = false} : vector<64x1024xf32>, vector<1024x64xf32>, vector<1024x1024xf32> -> vector<1024x1024xf32>
    %add3A_137 = vector.broadcast %dot_general3A_38 : vector<1024x1xf32> to vector<1024x1024xf32>
    %add3A_138 = vector.broadcast %dot_general3A_131 : vector<1x1024xf32> to vector<1024x1024xf32>
    %add3A_139 = arith.addf %add3A_137, %add3A_138 : vector<1024x1024xf32>
    %add3A_140 = arith.addf %add3A_139, %dot_general3A_136 : vector<1024x1024xf32>
    %reduce_min3A_141 = arith.constant dense<0x7F800000> : vector<1024xf32>
    %reduce_min3A_142 = vector.multi_reduction <minimumf>, %add3A_140, %reduce_min3A_141 [1] : vector<1024x1024xf32> to vector<1024xf32>
    %broadcast_in_dim3A_143 = vector.shape_cast %reduce_min3A_142 : vector<1024xf32> to vector<1024x1xf32>
    %iota3A_144 = tpu.iota {dimensions = array<i32: 1>} : vector<1x1024xi32>
    %convert_element_type3A_145 = arith.sitofp %iota3A_144 : vector<1x1024xi32> to vector<1x1024xf32>
    %add3A_146 = arith.constant 2.048000e+03 : f32
    %add3A_147 = vector.broadcast %add3A_146 : f32 to vector<1x1024xf32>
    %add3A_148 = arith.addf %convert_element_type3A_145, %add3A_147 : vector<1x1024xf32>
    %mul3A_149 = arith.constant 1.22070313E-4 : f32
    %mul3A_150 = vector.broadcast %mul3A_149 : f32 to vector<1x1024xf32>
    %mul3A_151 = arith.mulf %add3A_148, %mul3A_150 : vector<1x1024xf32>
    %sub3A_152 = vector.broadcast %broadcast_in_dim3A_143 : vector<1024x1xf32> to vector<1024x1024xf32>
    %sub3A_153 = arith.subf %add3A_140, %sub3A_152 : vector<1024x1024xf32>
    %add3A_154 = vector.broadcast %mul3A_151 : vector<1x1024xf32> to vector<1024x1024xf32>
    %add3A_155 = arith.addf %sub3A_153, %add3A_154 : vector<1024x1024xf32>
    %reduce_min3A_156 = arith.constant dense<0x7F800000> : vector<1024xf32>
    %reduce_min3A_157 = vector.multi_reduction <minimumf>, %add3A_155, %reduce_min3A_156 [1] : vector<1024x1024xf32> to vector<1024xf32>
    %broadcast_in_dim3A_158 = vector.shape_cast %reduce_min3A_157 : vector<1024xf32> to vector<1024x1xf32>
    %lt3A_159 = arith.cmpf olt, %broadcast_in_dim3A_143, %select_n3A_120 : vector<1024x1xf32>
    %select_n3A_160 = arith.select %lt3A_159, %broadcast_in_dim3A_158, %select_n3A_119 : vector<1024x1xi1>, vector<1024x1xf32>
    %select_n3A_161 = arith.select %lt3A_159, %broadcast_in_dim3A_143, %select_n3A_120 : vector<1024x1xi1>, vector<1024x1xf32>
    %get3A_162 = arith.constant 0 : index
    %get3A_163 = arith.constant 3072 : index
    %get3A_164 = arith.constant 0 : index
    %get3A_165 = vector.load %arg4[%get3A_162, %get3A_163, %get3A_164] : memref<1x8192x64xf32, #tpu.memory_space<vmem>>, vector<1x1024x64xf32>
    %get3A_166 = vector.shape_cast %get3A_165 : vector<1x1024x64xf32> to vector<1024x64xf32>
    %mul3A_167 = arith.constant 1.12589991E+15 : f32
    %mul3A_168 = vector.broadcast %mul3A_167 : f32 to vector<1024x64xf32>
    %mul3A_169 = arith.mulf %get3A_166, %mul3A_168 : vector<1024x64xf32>
    %mul3A_170 = arith.mulf %mul3A_169, %get3A_166 : vector<1024x64xf32>
    %dot_general3A_171 = arith.constant dense<0.000000e+00> : vector<1x1024xf32>
    %dot_general3A_172 = tpu.matmul %broadcast_in_dim3A_33, %mul3A_170, %dot_general3A_171 {dimension_numbers = #tpu.dot_dimension_numbers<[1], [1], [0], [0], [0, 0, 1, 0], [], []>, transpose_lhs_hint = false} : vector<1x64xf32>, vector<1024x64xf32>, vector<1x1024xf32> -> vector<1x1024xf32>
    %mul3A_173 = arith.constant -2.25179981E+15 : f32
    %mul3A_174 = vector.broadcast %mul3A_173 : f32 to vector<1024x64xf32>
    %mul3A_175 = arith.mulf %mul3A_174, %get3A_166 : vector<1024x64xf32>
    %dot_general3A_176 = arith.constant dense<0.000000e+00> : vector<1024x1024xf32>
    %dot_general3A_177 = tpu.matmul %sub3A_11, %mul3A_175, %dot_general3A_176 {dimension_numbers = #tpu.dot_dimension_numbers<[0], [1], [1], [0], [0, 1, 1, 0], [], []>, transpose_lhs_hint = false} : vector<64x1024xf32>, vector<1024x64xf32>, vector<1024x1024xf32> -> vector<1024x1024xf32>
    %add3A_178 = vector.broadcast %dot_general3A_38 : vector<1024x1xf32> to vector<1024x1024xf32>
    %add3A_179 = vector.broadcast %dot_general3A_172 : vector<1x1024xf32> to vector<1024x1024xf32>
    %add3A_180 = arith.addf %add3A_178, %add3A_179 : vector<1024x1024xf32>
    %add3A_181 = arith.addf %add3A_180, %dot_general3A_177 : vector<1024x1024xf32>
    %reduce_min3A_182 = arith.constant dense<0x7F800000> : vector<1024xf32>
    %reduce_min3A_183 = vector.multi_reduction <minimumf>, %add3A_181, %reduce_min3A_182 [1] : vector<1024x1024xf32> to vector<1024xf32>
    %broadcast_in_dim3A_184 = vector.shape_cast %reduce_min3A_183 : vector<1024xf32> to vector<1024x1xf32>
    %iota3A_185 = tpu.iota {dimensions = array<i32: 1>} : vector<1x1024xi32>
    %convert_element_type3A_186 = arith.sitofp %iota3A_185 : vector<1x1024xi32> to vector<1x1024xf32>
    %add3A_187 = arith.constant 3.072000e+03 : f32
    %add3A_188 = vector.broadcast %add3A_187 : f32 to vector<1x1024xf32>
    %add3A_189 = arith.addf %convert_element_type3A_186, %add3A_188 : vector<1x1024xf32>
    %mul3A_190 = arith.constant 1.22070313E-4 : f32
    %mul3A_191 = vector.broadcast %mul3A_190 : f32 to vector<1x1024xf32>
    %mul3A_192 = arith.mulf %add3A_189, %mul3A_191 : vector<1x1024xf32>
    %sub3A_193 = vector.broadcast %broadcast_in_dim3A_184 : vector<1024x1xf32> to vector<1024x1024xf32>
    %sub3A_194 = arith.subf %add3A_181, %sub3A_193 : vector<1024x1024xf32>
    %add3A_195 = vector.broadcast %mul3A_192 : vector<1x1024xf32> to vector<1024x1024xf32>
    %add3A_196 = arith.addf %sub3A_194, %add3A_195 : vector<1024x1024xf32>
    %reduce_min3A_197 = arith.constant dense<0x7F800000> : vector<1024xf32>
    %reduce_min3A_198 = vector.multi_reduction <minimumf>, %add3A_196, %reduce_min3A_197 [1] : vector<1024x1024xf32> to vector<1024xf32>
    %broadcast_in_dim3A_199 = vector.shape_cast %reduce_min3A_198 : vector<1024xf32> to vector<1024x1xf32>
    %lt3A_200 = arith.cmpf olt, %broadcast_in_dim3A_184, %select_n3A_161 : vector<1024x1xf32>
    %select_n3A_201 = arith.select %lt3A_200, %broadcast_in_dim3A_199, %select_n3A_160 : vector<1024x1xi1>, vector<1024x1xf32>
    %select_n3A_202 = arith.select %lt3A_200, %broadcast_in_dim3A_184, %select_n3A_161 : vector<1024x1xi1>, vector<1024x1xf32>
    %get3A_203 = arith.constant 0 : index
    %get3A_204 = arith.constant 4096 : index
    %get3A_205 = arith.constant 0 : index
    %get3A_206 = vector.load %arg4[%get3A_203, %get3A_204, %get3A_205] : memref<1x8192x64xf32, #tpu.memory_space<vmem>>, vector<1x1024x64xf32>
    %get3A_207 = vector.shape_cast %get3A_206 : vector<1x1024x64xf32> to vector<1024x64xf32>
    %mul3A_208 = arith.constant 1.12589991E+15 : f32
    %mul3A_209 = vector.broadcast %mul3A_208 : f32 to vector<1024x64xf32>
    %mul3A_210 = arith.mulf %get3A_207, %mul3A_209 : vector<1024x64xf32>
    %mul3A_211 = arith.mulf %mul3A_210, %get3A_207 : vector<1024x64xf32>
    %dot_general3A_212 = arith.constant dense<0.000000e+00> : vector<1x1024xf32>
    %dot_general3A_213 = tpu.matmul %broadcast_in_dim3A_33, %mul3A_211, %dot_general3A_212 {dimension_numbers = #tpu.dot_dimension_numbers<[1], [1], [0], [0], [0, 0, 1, 0], [], []>, transpose_lhs_hint = false} : vector<1x64xf32>, vector<1024x64xf32>, vector<1x1024xf32> -> vector<1x1024xf32>
    %mul3A_214 = arith.constant -2.25179981E+15 : f32
    %mul3A_215 = vector.broadcast %mul3A_214 : f32 to vector<1024x64xf32>
    %mul3A_216 = arith.mulf %mul3A_215, %get3A_207 : vector<1024x64xf32>
    %dot_general3A_217 = arith.constant dense<0.000000e+00> : vector<1024x1024xf32>
    %dot_general3A_218 = tpu.matmul %sub3A_11, %mul3A_216, %dot_general3A_217 {dimension_numbers = #tpu.dot_dimension_numbers<[0], [1], [1], [0], [0, 1, 1, 0], [], []>, transpose_lhs_hint = false} : vector<64x1024xf32>, vector<1024x64xf32>, vector<1024x1024xf32> -> vector<1024x1024xf32>
    %add3A_219 = vector.broadcast %dot_general3A_38 : vector<1024x1xf32> to vector<1024x1024xf32>
    %add3A_220 = vector.broadcast %dot_general3A_213 : vector<1x1024xf32> to vector<1024x1024xf32>
    %add3A_221 = arith.addf %add3A_219, %add3A_220 : vector<1024x1024xf32>
    %add3A_222 = arith.addf %add3A_221, %dot_general3A_218 : vector<1024x1024xf32>
    %reduce_min3A_223 = arith.constant dense<0x7F800000> : vector<1024xf32>
    %reduce_min3A_224 = vector.multi_reduction <minimumf>, %add3A_222, %reduce_min3A_223 [1] : vector<1024x1024xf32> to vector<1024xf32>
    %broadcast_in_dim3A_225 = vector.shape_cast %reduce_min3A_224 : vector<1024xf32> to vector<1024x1xf32>
    %iota3A_226 = tpu.iota {dimensions = array<i32: 1>} : vector<1x1024xi32>
    %convert_element_type3A_227 = arith.sitofp %iota3A_226 : vector<1x1024xi32> to vector<1x1024xf32>
    %add3A_228 = arith.constant 4.096000e+03 : f32
    %add3A_229 = vector.broadcast %add3A_228 : f32 to vector<1x1024xf32>
    %add3A_230 = arith.addf %convert_element_type3A_227, %add3A_229 : vector<1x1024xf32>
    %mul3A_231 = arith.constant 1.22070313E-4 : f32
    %mul3A_232 = vector.broadcast %mul3A_231 : f32 to vector<1x1024xf32>
    %mul3A_233 = arith.mulf %add3A_230, %mul3A_232 : vector<1x1024xf32>
    %sub3A_234 = vector.broadcast %broadcast_in_dim3A_225 : vector<1024x1xf32> to vector<1024x1024xf32>
    %sub3A_235 = arith.subf %add3A_222, %sub3A_234 : vector<1024x1024xf32>
    %add3A_236 = vector.broadcast %mul3A_233 : vector<1x1024xf32> to vector<1024x1024xf32>
    %add3A_237 = arith.addf %sub3A_235, %add3A_236 : vector<1024x1024xf32>
    %reduce_min3A_238 = arith.constant dense<0x7F800000> : vector<1024xf32>
    %reduce_min3A_239 = vector.multi_reduction <minimumf>, %add3A_237, %reduce_min3A_238 [1] : vector<1024x1024xf32> to vector<1024xf32>
    %broadcast_in_dim3A_240 = vector.shape_cast %reduce_min3A_239 : vector<1024xf32> to vector<1024x1xf32>
    %lt3A_241 = arith.cmpf olt, %broadcast_in_dim3A_225, %select_n3A_202 : vector<1024x1xf32>
    %select_n3A_242 = arith.select %lt3A_241, %broadcast_in_dim3A_240, %select_n3A_201 : vector<1024x1xi1>, vector<1024x1xf32>
    %select_n3A_243 = arith.select %lt3A_241, %broadcast_in_dim3A_225, %select_n3A_202 : vector<1024x1xi1>, vector<1024x1xf32>
    %get3A_244 = arith.constant 0 : index
    %get3A_245 = arith.constant 5120 : index
    %get3A_246 = arith.constant 0 : index
    %get3A_247 = vector.load %arg4[%get3A_244, %get3A_245, %get3A_246] : memref<1x8192x64xf32, #tpu.memory_space<vmem>>, vector<1x1024x64xf32>
    %get3A_248 = vector.shape_cast %get3A_247 : vector<1x1024x64xf32> to vector<1024x64xf32>
    %mul3A_249 = arith.constant 1.12589991E+15 : f32
    %mul3A_250 = vector.broadcast %mul3A_249 : f32 to vector<1024x64xf32>
    %mul3A_251 = arith.mulf %get3A_248, %mul3A_250 : vector<1024x64xf32>
    %mul3A_252 = arith.mulf %mul3A_251, %get3A_248 : vector<1024x64xf32>
    %dot_general3A_253 = arith.constant dense<0.000000e+00> : vector<1x1024xf32>
    %dot_general3A_254 = tpu.matmul %broadcast_in_dim3A_33, %mul3A_252, %dot_general3A_253 {dimension_numbers = #tpu.dot_dimension_numbers<[1], [1], [0], [0], [0, 0, 1, 0], [], []>, transpose_lhs_hint = false} : vector<1x64xf32>, vector<1024x64xf32>, vector<1x1024xf32> -> vector<1x1024xf32>
    %mul3A_255 = arith.constant -2.25179981E+15 : f32
    %mul3A_256 = vector.broadcast %mul3A_255 : f32 to vector<1024x64xf32>
    %mul3A_257 = arith.mulf %mul3A_256, %get3A_248 : vector<1024x64xf32>
    %dot_general3A_258 = arith.constant dense<0.000000e+00> : vector<1024x1024xf32>
    %dot_general3A_259 = tpu.matmul %sub3A_11, %mul3A_257, %dot_general3A_258 {dimension_numbers = #tpu.dot_dimension_numbers<[0], [1], [1], [0], [0, 1, 1, 0], [], []>, transpose_lhs_hint = false} : vector<64x1024xf32>, vector<1024x64xf32>, vector<1024x1024xf32> -> vector<1024x1024xf32>
    %add3A_260 = vector.broadcast %dot_general3A_38 : vector<1024x1xf32> to vector<1024x1024xf32>
    %add3A_261 = vector.broadcast %dot_general3A_254 : vector<1x1024xf32> to vector<1024x1024xf32>
    %add3A_262 = arith.addf %add3A_260, %add3A_261 : vector<1024x1024xf32>
    %add3A_263 = arith.addf %add3A_262, %dot_general3A_259 : vector<1024x1024xf32>
    %reduce_min3A_264 = arith.constant dense<0x7F800000> : vector<1024xf32>
    %reduce_min3A_265 = vector.multi_reduction <minimumf>, %add3A_263, %reduce_min3A_264 [1] : vector<1024x1024xf32> to vector<1024xf32>
    %broadcast_in_dim3A_266 = vector.shape_cast %reduce_min3A_265 : vector<1024xf32> to vector<1024x1xf32>
    %iota3A_267 = tpu.iota {dimensions = array<i32: 1>} : vector<1x1024xi32>
    %convert_element_type3A_268 = arith.sitofp %iota3A_267 : vector<1x1024xi32> to vector<1x1024xf32>
    %add3A_269 = arith.constant 5.120000e+03 : f32
    %add3A_270 = vector.broadcast %add3A_269 : f32 to vector<1x1024xf32>
    %add3A_271 = arith.addf %convert_element_type3A_268, %add3A_270 : vector<1x1024xf32>
    %mul3A_272 = arith.constant 1.22070313E-4 : f32
    %mul3A_273 = vector.broadcast %mul3A_272 : f32 to vector<1x1024xf32>
    %mul3A_274 = arith.mulf %add3A_271, %mul3A_273 : vector<1x1024xf32>
    %sub3A_275 = vector.broadcast %broadcast_in_dim3A_266 : vector<1024x1xf32> to vector<1024x1024xf32>
    %sub3A_276 = arith.subf %add3A_263, %sub3A_275 : vector<1024x1024xf32>
    %add3A_277 = vector.broadcast %mul3A_274 : vector<1x1024xf32> to vector<1024x1024xf32>
    %add3A_278 = arith.addf %sub3A_276, %add3A_277 : vector<1024x1024xf32>
    %reduce_min3A_279 = arith.constant dense<0x7F800000> : vector<1024xf32>
    %reduce_min3A_280 = vector.multi_reduction <minimumf>, %add3A_278, %reduce_min3A_279 [1] : vector<1024x1024xf32> to vector<1024xf32>
    %broadcast_in_dim3A_281 = vector.shape_cast %reduce_min3A_280 : vector<1024xf32> to vector<1024x1xf32>
    %lt3A_282 = arith.cmpf olt, %broadcast_in_dim3A_266, %select_n3A_243 : vector<1024x1xf32>
    %select_n3A_283 = arith.select %lt3A_282, %broadcast_in_dim3A_281, %select_n3A_242 : vector<1024x1xi1>, vector<1024x1xf32>
    %select_n3A_284 = arith.select %lt3A_282, %broadcast_in_dim3A_266, %select_n3A_243 : vector<1024x1xi1>, vector<1024x1xf32>
    %get3A_285 = arith.constant 0 : index
    %get3A_286 = arith.constant 6144 : index
    %get3A_287 = arith.constant 0 : index
    %get3A_288 = vector.load %arg4[%get3A_285, %get3A_286, %get3A_287] : memref<1x8192x64xf32, #tpu.memory_space<vmem>>, vector<1x1024x64xf32>
    %get3A_289 = vector.shape_cast %get3A_288 : vector<1x1024x64xf32> to vector<1024x64xf32>
    %mul3A_290 = arith.constant 1.12589991E+15 : f32
    %mul3A_291 = vector.broadcast %mul3A_290 : f32 to vector<1024x64xf32>
    %mul3A_292 = arith.mulf %get3A_289, %mul3A_291 : vector<1024x64xf32>
    %mul3A_293 = arith.mulf %mul3A_292, %get3A_289 : vector<1024x64xf32>
    %dot_general3A_294 = arith.constant dense<0.000000e+00> : vector<1x1024xf32>
    %dot_general3A_295 = tpu.matmul %broadcast_in_dim3A_33, %mul3A_293, %dot_general3A_294 {dimension_numbers = #tpu.dot_dimension_numbers<[1], [1], [0], [0], [0, 0, 1, 0], [], []>, transpose_lhs_hint = false} : vector<1x64xf32>, vector<1024x64xf32>, vector<1x1024xf32> -> vector<1x1024xf32>
    %mul3A_296 = arith.constant -2.25179981E+15 : f32
    %mul3A_297 = vector.broadcast %mul3A_296 : f32 to vector<1024x64xf32>
    %mul3A_298 = arith.mulf %mul3A_297, %get3A_289 : vector<1024x64xf32>
    %dot_general3A_299 = arith.constant dense<0.000000e+00> : vector<1024x1024xf32>
    %dot_general3A_300 = tpu.matmul %sub3A_11, %mul3A_298, %dot_general3A_299 {dimension_numbers = #tpu.dot_dimension_numbers<[0], [1], [1], [0], [0, 1, 1, 0], [], []>, transpose_lhs_hint = false} : vector<64x1024xf32>, vector<1024x64xf32>, vector<1024x1024xf32> -> vector<1024x1024xf32>
    %add3A_301 = vector.broadcast %dot_general3A_38 : vector<1024x1xf32> to vector<1024x1024xf32>
    %add3A_302 = vector.broadcast %dot_general3A_295 : vector<1x1024xf32> to vector<1024x1024xf32>
    %add3A_303 = arith.addf %add3A_301, %add3A_302 : vector<1024x1024xf32>
    %add3A_304 = arith.addf %add3A_303, %dot_general3A_300 : vector<1024x1024xf32>
    %reduce_min3A_305 = arith.constant dense<0x7F800000> : vector<1024xf32>
    %reduce_min3A_306 = vector.multi_reduction <minimumf>, %add3A_304, %reduce_min3A_305 [1] : vector<1024x1024xf32> to vector<1024xf32>
    %broadcast_in_dim3A_307 = vector.shape_cast %reduce_min3A_306 : vector<1024xf32> to vector<1024x1xf32>
    %iota3A_308 = tpu.iota {dimensions = array<i32: 1>} : vector<1x1024xi32>
    %convert_element_type3A_309 = arith.sitofp %iota3A_308 : vector<1x1024xi32> to vector<1x1024xf32>
    %add3A_310 = arith.constant 6.144000e+03 : f32
    %add3A_311 = vector.broadcast %add3A_310 : f32 to vector<1x1024xf32>
    %add3A_312 = arith.addf %convert_element_type3A_309, %add3A_311 : vector<1x1024xf32>
    %mul3A_313 = arith.constant 1.22070313E-4 : f32
    %mul3A_314 = vector.broadcast %mul3A_313 : f32 to vector<1x1024xf32>
    %mul3A_315 = arith.mulf %add3A_312, %mul3A_314 : vector<1x1024xf32>
    %sub3A_316 = vector.broadcast %broadcast_in_dim3A_307 : vector<1024x1xf32> to vector<1024x1024xf32>
    %sub3A_317 = arith.subf %add3A_304, %sub3A_316 : vector<1024x1024xf32>
    %add3A_318 = vector.broadcast %mul3A_315 : vector<1x1024xf32> to vector<1024x1024xf32>
    %add3A_319 = arith.addf %sub3A_317, %add3A_318 : vector<1024x1024xf32>
    %reduce_min3A_320 = arith.constant dense<0x7F800000> : vector<1024xf32>
    %reduce_min3A_321 = vector.multi_reduction <minimumf>, %add3A_319, %reduce_min3A_320 [1] : vector<1024x1024xf32> to vector<1024xf32>
    %broadcast_in_dim3A_322 = vector.shape_cast %reduce_min3A_321 : vector<1024xf32> to vector<1024x1xf32>
    %lt3A_323 = arith.cmpf olt, %broadcast_in_dim3A_307, %select_n3A_284 : vector<1024x1xf32>
    %select_n3A_324 = arith.select %lt3A_323, %broadcast_in_dim3A_322, %select_n3A_283 : vector<1024x1xi1>, vector<1024x1xf32>
    %select_n3A_325 = arith.select %lt3A_323, %broadcast_in_dim3A_307, %select_n3A_284 : vector<1024x1xi1>, vector<1024x1xf32>
    %get3A_326 = arith.constant 0 : index
    %get3A_327 = arith.constant 7168 : index
    %get3A_328 = arith.constant 0 : index
    %get3A_329 = vector.load %arg4[%get3A_326, %get3A_327, %get3A_328] : memref<1x8192x64xf32, #tpu.memory_space<vmem>>, vector<1x1024x64xf32>
    %get3A_330 = vector.shape_cast %get3A_329 : vector<1x1024x64xf32> to vector<1024x64xf32>
    %mul3A_331 = arith.constant 1.12589991E+15 : f32
    %mul3A_332 = vector.broadcast %mul3A_331 : f32 to vector<1024x64xf32>
    %mul3A_333 = arith.mulf %get3A_330, %mul3A_332 : vector<1024x64xf32>
    %mul3A_334 = arith.mulf %mul3A_333, %get3A_330 : vector<1024x64xf32>
    %dot_general3A_335 = arith.constant dense<0.000000e+00> : vector<1x1024xf32>
    %dot_general3A_336 = tpu.matmul %broadcast_in_dim3A_33, %mul3A_334, %dot_general3A_335 {dimension_numbers = #tpu.dot_dimension_numbers<[1], [1], [0], [0], [0, 0, 1, 0], [], []>, transpose_lhs_hint = false} : vector<1x64xf32>, vector<1024x64xf32>, vector<1x1024xf32> -> vector<1x1024xf32>
    %mul3A_337 = arith.constant -2.25179981E+15 : f32
    %mul3A_338 = vector.broadcast %mul3A_337 : f32 to vector<1024x64xf32>
    %mul3A_339 = arith.mulf %mul3A_338, %get3A_330 : vector<1024x64xf32>
    %dot_general3A_340 = arith.constant dense<0.000000e+00> : vector<1024x1024xf32>
    %dot_general3A_341 = tpu.matmul %sub3A_11, %mul3A_339, %dot_general3A_340 {dimension_numbers = #tpu.dot_dimension_numbers<[0], [1], [1], [0], [0, 1, 1, 0], [], []>, transpose_lhs_hint = false} : vector<64x1024xf32>, vector<1024x64xf32>, vector<1024x1024xf32> -> vector<1024x1024xf32>
    %add3A_342 = vector.broadcast %dot_general3A_38 : vector<1024x1xf32> to vector<1024x1024xf32>
    %add3A_343 = vector.broadcast %dot_general3A_336 : vector<1x1024xf32> to vector<1024x1024xf32>
    %add3A_344 = arith.addf %add3A_342, %add3A_343 : vector<1024x1024xf32>
    %add3A_345 = arith.addf %add3A_344, %dot_general3A_341 : vector<1024x1024xf32>
    %reduce_min3A_346 = arith.constant dense<0x7F800000> : vector<1024xf32>
    %reduce_min3A_347 = vector.multi_reduction <minimumf>, %add3A_345, %reduce_min3A_346 [1] : vector<1024x1024xf32> to vector<1024xf32>
    %broadcast_in_dim3A_348 = vector.shape_cast %reduce_min3A_347 : vector<1024xf32> to vector<1024x1xf32>
    %iota3A_349 = tpu.iota {dimensions = array<i32: 1>} : vector<1x1024xi32>
    %convert_element_type3A_350 = arith.sitofp %iota3A_349 : vector<1x1024xi32> to vector<1x1024xf32>
    %add3A_351 = arith.constant 7.168000e+03 : f32
    %add3A_352 = vector.broadcast %add3A_351 : f32 to vector<1x1024xf32>
    %add3A_353 = arith.addf %convert_element_type3A_350, %add3A_352 : vector<1x1024xf32>
    %mul3A_354 = arith.constant 1.22070313E-4 : f32
    %mul3A_355 = vector.broadcast %mul3A_354 : f32 to vector<1x1024xf32>
    %mul3A_356 = arith.mulf %add3A_353, %mul3A_355 : vector<1x1024xf32>
    %sub3A_357 = vector.broadcast %broadcast_in_dim3A_348 : vector<1024x1xf32> to vector<1024x1024xf32>
    %sub3A_358 = arith.subf %add3A_345, %sub3A_357 : vector<1024x1024xf32>
    %add3A_359 = vector.broadcast %mul3A_356 : vector<1x1024xf32> to vector<1024x1024xf32>
    %add3A_360 = arith.addf %sub3A_358, %add3A_359 : vector<1024x1024xf32>
    %reduce_min3A_361 = arith.constant dense<0x7F800000> : vector<1024xf32>
    %reduce_min3A_362 = vector.multi_reduction <minimumf>, %add3A_360, %reduce_min3A_361 [1] : vector<1024x1024xf32> to vector<1024xf32>
    %broadcast_in_dim3A_363 = vector.shape_cast %reduce_min3A_362 : vector<1024xf32> to vector<1024x1xf32>
    %lt3A_364 = arith.cmpf olt, %broadcast_in_dim3A_348, %select_n3A_325 : vector<1024x1xf32>
    %select_n3A_365 = arith.select %lt3A_364, %broadcast_in_dim3A_363, %select_n3A_324 : vector<1024x1xi1>, vector<1024x1xf32>
    %mul3A_366 = arith.constant 8.192000e+03 : f32
    %mul3A_367 = vector.broadcast %mul3A_366 : f32 to vector<1024x1xf32>
    %mul3A_368 = arith.mulf %select_n3A_365, %mul3A_367 : vector<1024x1xf32>
    %convert_element_type3A_369 = arith.fptosi %mul3A_368 : vector<1024x1xf32> to vector<1024x1xi32>
    %swap3A_370 = arith.constant 0 : index
    %swap3A_371 = arith.constant 0 : index
    %swap3A_372 = arith.constant 0 : index
    %swap3A_373 = arith.constant 0 : index
    %swap3A_374 = vector.load %arg5[%swap3A_370, %swap3A_371, %swap3A_372, %swap3A_373] : memref<1x1x1024x1xi32, #tpu.memory_space<vmem>>, vector<1x1x1024x1xi32>
    %swap3A_375 = vector.shape_cast %swap3A_374 : vector<1x1x1024x1xi32> to vector<1024x1xi32>
    %swap3A_376 = vector.shape_cast %convert_element_type3A_369 : vector<1024x1xi32> to vector<1x1x1024x1xi32>
    tpu.vector_store %arg5[%swap3A_370, %swap3A_371, %swap3A_372, %swap3A_373], %swap3A_376 {strides = array<i32>} : memref<1x1x1024x1xi32, #tpu.memory_space<vmem>>, vector<1x1x1024x1xi32>,
    %mul3A_377 = arith.constant 8192 : i32
    %mul3A_378 = arith.muli %arg0, %mul3A_377 : i32
    %add3A_379 = vector.broadcast %mul3A_378 : i32 to vector<1024x1xi32>
    %add3A_380 = arith.addi %convert_element_type3A_369, %add3A_379 : vector<1024x1xi32>
    %swap3A_381 = arith.constant 0 : index
    %swap3A_382 = arith.constant 0 : index
    %swap3A_383 = arith.constant 0 : index
    %swap3A_384 = arith.constant 0 : index
    %swap3A_385 = vector.load %arg6[%swap3A_381, %swap3A_382, %swap3A_383, %swap3A_384] : memref<1x1x1024x1xi32, #tpu.memory_space<vmem>>, vector<1x1x1024x1xi32>
    %swap3A_386 = vector.shape_cast %swap3A_385 : vector<1x1x1024x1xi32> to vector<1024x1xi32>
    %swap3A_387 = vector.shape_cast %add3A_380 : vector<1024x1xi32> to vector<1x1x1024x1xi32>
    tpu.vector_store %arg6[%swap3A_381, %swap3A_382, %swap3A_383, %swap3A_384], %swap3A_387 {strides = array<i32>} : memref<1x1x1024x1xi32, #tpu.memory_space<vmem>>, vector<1x1x1024x1xi32>,
    return
  }
  func.func @transform_0(%arg0: i32, %arg1: i32) -> (i32, i32, i32, i32) {
    %c0_i32 = arith.constant 0 : i32
    %c0_i32_0 = arith.constant 0 : i32
    %c0_i32_1 = arith.constant 0 : i32
    return %arg1, %arg0, %c0_i32, %c0_i32_0 : i32, i32, i32, i32
  }
  func.func @transform_1(%arg0: i32, %arg1: i32) -> (i32, i32, i32, i32) {
    %c0_i32 = arith.constant 0 : i32
    %c0_i32_0 = arith.constant 0 : i32
    %c0_i32_1 = arith.constant 0 : i32
    return %arg0, %arg1, %c0_i32, %c0_i32_0 : i32, i32, i32, i32
  }
  func.func @transform_2(%arg0: i32, %arg1: i32) -> (i32, i32, i32) {
    %c0_i32 = arith.constant 0 : i32
    %c0_i32_0 = arith.constant 0 : i32
    %c0_i32_1 = arith.constant 0 : i32
    return %arg0, %c0_i32, %c0_i32_0 : i32, i32, i32
  }
  func.func @transform_3(%arg0: i32, %arg1: i32) -> (i32, i32, i32, i32) {
    %c0_i32 = arith.constant 0 : i32
    %c0_i32_0 = arith.constant 0 : i32
    %c0_i32_1 = arith.constant 0 : i32
    return %arg0, %arg1, %c0_i32, %c0_i32_0 : i32, i32, i32, i32
  }
  func.func @transform_4(%arg0: i32, %arg1: i32) -> (i32, i32, i32, i32) {
    %c0_i32 = arith.constant 0 : i32
    %c0_i32_0 = arith.constant 0 : i32
    %c0_i32_1 = arith.constant 0 : i32
    return %arg0, %arg1, %c0_i32, %c0_i32_0 : i32, i32, i32, i32
  }
  func.func @transform_5(%arg0: i32, %arg1: i32) -> (i32, i32, i32, i32) {
    %c0_i32 = arith.constant 0 : i32
    %c0_i32_0 = arith.constant 0 : i32
    %c0_i32_1 = arith.constant 0 : i32
    return %arg1, %arg0, %c0_i32, %c0_i32_0 : i32, i32, i32, i32
  }
  func.func @transform_6(%arg0: i32, %arg1: i32) -> (i32, i32) {
    %c0_i32 = arith.constant 0 : i32
    %c0_i32_0 = arith.constant 0 : i32
    %c0_i32_1 = arith.constant 0 : i32
    return %c0_i32, %c0_i32_0 : i32, i32
  }
}

module attributes {stable_mosaic.version = 14 : i64} {
  func.func @_tc3_body(%arg0: i32, %arg1: i32, %arg2: memref<1x1x64x1024xf32, #tpu.memory_space<vmem>>, %arg3: memref<1x1x64x1024xf32, #tpu.memory_space<vmem>>, %arg4: memref<1x1x1024x64xf32, #tpu.memory_space<vmem>>, %arg5: memref<1x1x64x1024xf32, #tpu.memory_space<vmem>>, %arg6: memref<1x1xf32, #tpu.memory_space<smem>>) attributes {dimension_semantics = [#tpu.dimension_semantics<arbitrary>, #tpu.dimension_semantics<arbitrary>], iteration_bounds = array<i64: 8, 4>, scalar_prefetch = 0 : i64, scratch_operands = 0 : i64, tpu.core_type = #tpu.core_type<tc>, window_params = [{transform_indices = @transform_0, window_bounds = array<i64: 1, 1, 64, 1024>}, {transform_indices = @transform_1, window_bounds = array<i64: 1, 1, 64, 1024>}, {transform_indices = @transform_2, window_bounds = array<i64: 1, 1, 1024, 64>}, {transform_indices = @transform_3, window_bounds = array<i64: 1, 1, 64, 1024>}, {transform_indices = @transform_4, window_bounds = array<i64: 1, 1>}]} {
    %get3A = arith.constant 0 : index
    %get3A_0 = arith.constant 0 : index
    %get3A_1 = arith.constant 0 : index
    %get3A_2 = arith.constant 0 : index
    %get3A_3 = vector.load %arg2[%get3A, %get3A_0, %get3A_1, %get3A_2] : memref<1x1x64x1024xf32, #tpu.memory_space<vmem>>, vector<1x1x64x1024xf32>
    %get3A_4 = vector.shape_cast %get3A_3 : vector<1x1x64x1024xf32> to vector<64x1024xf32>
    %get3A_5 = arith.constant 0 : index
    %get3A_6 = arith.constant 0 : index
    %get3A_7 = arith.constant 0 : index
    %get3A_8 = arith.constant 0 : index
    %get3A_9 = vector.load %arg3[%get3A_5, %get3A_6, %get3A_7, %get3A_8] : memref<1x1x64x1024xf32, #tpu.memory_space<vmem>>, vector<1x1x64x1024xf32>
    %get3A_10 = vector.shape_cast %get3A_9 : vector<1x1x64x1024xf32> to vector<64x1024xf32>
    %get3A_11 = arith.constant 0 : index
    %get3A_12 = arith.constant 0 : index
    %get3A_13 = arith.constant 0 : index
    %get3A_14 = arith.constant 0 : index
    %get3A_15 = vector.load %arg4[%get3A_11, %get3A_12, %get3A_13, %get3A_14] : memref<1x1x1024x64xf32, #tpu.memory_space<vmem>>, vector<1x1x1024x64xf32>
    %get3A_16 = vector.shape_cast %get3A_15 : vector<1x1x1024x64xf32> to vector<1024x64xf32>
    %transpose3A = tpu.transpose %get3A_16, [1, 0] : vector<1024x64xf32> -> vector<64x1024xf32>
    %sub3A = arith.subf %get3A_4, %get3A_10 : vector<64x1024xf32>
    %sub3A_17 = arith.subf %transpose3A, %sub3A : vector<64x1024xf32>
    %add3A = arith.addf %sub3A, %sub3A_17 : vector<64x1024xf32>
    %eq3A = arith.constant 0 : i32
    %eq3A_18 = arith.cmpi eq, %arg0, %eq3A : i32
    %eq3A_19 = arith.constant 0 : i32
    %eq3A_20 = arith.cmpi eq, %arg1, %eq3A_19 : i32
    %and3A = arith.andi %eq3A_18, %eq3A_20 : i1
    %convert_element_type3A = arith.extui %and3A : i1 to i32
    %cond3A = arith.constant 0 : i32
    %cond3A_21 = arith.cmpi ne, %convert_element_type3A, %cond3A : i32
    scf.if %cond3A_21 {
      %swap3A_40 = arith.constant 0.000000e+00 : f32
      %swap3A_41 = arith.constant 0 : index
      %swap3A_42 = arith.constant 0 : index
      %swap3A_43 = memref.load %arg6[%swap3A_41, %swap3A_42] : memref<1x1xf32, #tpu.memory_space<smem>>
      memref.store %swap3A_40, %arg6[%swap3A_41, %swap3A_42] : memref<1x1xf32, #tpu.memory_space<smem>>
    } else {
    }
    %get3A_22 = arith.constant 0 : index
    %get3A_23 = arith.constant 0 : index
    %get3A_24 = memref.load %arg6[%get3A_22, %get3A_23] : memref<1x1xf32, #tpu.memory_space<smem>>
    %mul3A = arith.mulf %sub3A_17, %sub3A_17 : vector<64x1024xf32>
    %reduce_sum3A = vector.shape_cast %mul3A : vector<64x1024xf32> to vector<1x64x1024xf32>
    %reduce_sum3A_25 = arith.constant dense<0.000000e+00> : vector<1xf32>
    %reduce_sum3A_26 = vector.multi_reduction <add>, %reduce_sum3A, %reduce_sum3A_25 [1, 2] : vector<1x64x1024xf32> to vector<1xf32>
    %reduce_sum3A_27 = vector.shape_cast %reduce_sum3A_26 : vector<1xf32> to vector<1x1x1xf32>
    %reduce_sum3A_28 = vector.extract %reduce_sum3A_27[0, 0, 0] : f32 from vector<1x1x1xf32>
    %add3A_29 = arith.addf %get3A_24, %reduce_sum3A_28 : f32
    %swap3A = arith.constant 0 : index
    %swap3A_30 = arith.constant 0 : index
    %swap3A_31 = memref.load %arg6[%swap3A, %swap3A_30] : memref<1x1xf32, #tpu.memory_space<smem>>
    memref.store %add3A_29, %arg6[%swap3A, %swap3A_30] : memref<1x1xf32, #tpu.memory_space<smem>>
    %add3A_32 = arith.addf %get3A_10, %add3A : vector<64x1024xf32>
    %swap3A_33 = arith.constant 0 : index
    %swap3A_34 = arith.constant 0 : index
    %swap3A_35 = arith.constant 0 : index
    %swap3A_36 = arith.constant 0 : index
    %swap3A_37 = vector.load %arg5[%swap3A_33, %swap3A_34, %swap3A_35, %swap3A_36] : memref<1x1x64x1024xf32, #tpu.memory_space<vmem>>, vector<1x1x64x1024xf32>
    %swap3A_38 = vector.shape_cast %swap3A_37 : vector<1x1x64x1024xf32> to vector<64x1024xf32>
    %swap3A_39 = vector.shape_cast %add3A_32 : vector<64x1024xf32> to vector<1x1x64x1024xf32>
    tpu.vector_store %arg5[%swap3A_33, %swap3A_34, %swap3A_35, %swap3A_36], %swap3A_39 {strides = array<i32>} : memref<1x1x64x1024xf32, #tpu.memory_space<vmem>>, vector<1x1x64x1024xf32>,
    return
  }
  func.func @transform_0(%arg0: i32, %arg1: i32) -> (i32, i32, i32, i32) {
    %c0_i32 = arith.constant 0 : i32
    %c0_i32_0 = arith.constant 0 : i32
    %c0_i32_1 = arith.constant 0 : i32
    return %arg1, %arg0, %c0_i32, %c0_i32_0 : i32, i32, i32, i32
  }
  func.func @transform_1(%arg0: i32, %arg1: i32) -> (i32, i32, i32, i32) {
    %c0_i32 = arith.constant 0 : i32
    %c0_i32_0 = arith.constant 0 : i32
    %c0_i32_1 = arith.constant 0 : i32
    return %arg1, %arg0, %c0_i32, %c0_i32_0 : i32, i32, i32, i32
  }
  func.func @transform_2(%arg0: i32, %arg1: i32) -> (i32, i32, i32, i32) {
    %c0_i32 = arith.constant 0 : i32
    %c0_i32_0 = arith.constant 0 : i32
    %c0_i32_1 = arith.constant 0 : i32
    return %arg0, %arg1, %c0_i32, %c0_i32_0 : i32, i32, i32, i32
  }
  func.func @transform_3(%arg0: i32, %arg1: i32) -> (i32, i32, i32, i32) {
    %c0_i32 = arith.constant 0 : i32
    %c0_i32_0 = arith.constant 0 : i32
    %c0_i32_1 = arith.constant 0 : i32
    return %arg1, %arg0, %c0_i32, %c0_i32_0 : i32, i32, i32, i32
  }
  func.func @transform_4(%arg0: i32, %arg1: i32) -> (i32, i32) {
    %c0_i32 = arith.constant 0 : i32
    %c0_i32_0 = arith.constant 0 : i32
    %c0_i32_1 = arith.constant 0 : i32
    return %c0_i32, %c0_i32_0 : i32, i32
  }
}

</mosaic_0001>

<sc_bundles>
// kernel: kernel.10.cloned.1.call-start
scs
__scs_entry_jumppad:
0x0: {  	(pc) =	sbr.rel $0x88, $3  }
0x1: {  	(tag) =	ssettag $0x0;
	lr =	simm.s32 $0x1  }
0x2: {  	[smem:$0x3F9E] =	sst lr;
	_ =	strace $0xD0000000  }
0x3: {  	_ = 	snop  }
0x4: {  	_ = 	snop  }
0x5: {  	_ = 	snop  }
0x6: {  	_ = 	snop  }
0x7: {  	_ = 	snop  }
__scs_overlays_trampoline_lowered:
0x8: {  	[smem:$0x3FAD] =	sst s0  }
0x9: {  	[smem:$0x3FAE] =	sst s1  }
0xa: {  	[smem:$0x3FAF] =	sst s2  }
0xb: {  	[smem:$0x3FB0] =	sst s3  }
0xc: {  	[smem:$0x3FB1] =	sst s4  }
0xd: {  	[smem:$0x3FB2] =	sst s5  }
0xe: {  	[smem:$0x3FB3] =	sst s6  }
0xf: {  	[smem:$0x3FB4] =	sst s7  }
0x10: {  	[smem:$0x3FB5] =	sst s8  }
0x11: {  	[smem:$0x3FB6] =	sst s9;
	s0 =	simm.s32 @!p0 $0x0  }
0x12: {  	s1 =	sld [smem:$0x3F9C];
	s0 =	simm.s32 @p0 $0x1  }
0x13: {  	[smem:$0x3FB7] =	sst s0;
	s0 =	simm.s32 @!p1 $0x0  }
0x14: {  	s2 =	sld [smem:$0x3F9B];
	s0 =	simm.s32 @p1 $0x1  }
0x15: {  	[smem:$0x3FB8] =	sst s0;
	s0 =	simm.s32 @!p2 $0x0  }
0x16: {  	s3 =	sld [smem:$0x3FDB];
	s0 =	simm.s32 @p2 $0x1  }
0x17: {  	s4 =	simm.s32 $0x1BF5;
	[smem:$0x3FBA] =	sst s0  }
0x18: {  	s0 =	sld [smem:$0x3F9D];
	_ =	swait.ge [sflag:s4], $0x0  }
0x19: {  	s7 =	sld [smem:$0x3F9E]  }
0x1a: {  	s8 =	sadd.s32 $0xFFFFE003, lr  }
0x1b: {  	s9 =	sadd.s32 $0xFFFFFEF7, lr;
	s5 =	simm.s32 $0xFFFFFFFF;
	p2 =	slt.u32 s8, $0xFFFFF086  }
0x1c: {  	p1 =	slt.u32 s9, $0xF7A;
	s5 =	simm.s32 @!p2 $0x0  }
0x1d: {  	s5 =	simm.s32 @p1 $0x1;
	p0 =	seq.s32 s7, s2  }
0x1e: {  	s7 =	smul.u32 @!p0 $0xF7A, s2;
	p2 =	seq.s32 @!p0 s5, $0x0  }
0x1f: {  	s9 =	smul.u32 $0xF7A, s1;
	s8 =	simm.s32 @!p0 $0x1BF5;
	p2 =	por !p2, p0  }
0x20: {  	[sflag:s8] =	ssyncset.s32 @!p0 $0xFFFFF086;
	s6 =	sadd.s32 @!p0 s3, s7;
	s7 =	simm.s32 @!p0 $0x108  }
0x21: {  	s3 =	sadd.s32 s3, s9;
	s6 =	sadd.s32 @!p0 $0x88, s6;
	s7 =	simm.s32 @p2 $0x1082  }
0x22: {  	[simem:s7], [sflag:s8] =	dma.local @!p0 [hbm:s6], $0xF7A  }
0x23: {  	s9 =	sor.u32 $0xD0000000, s2;
	s6 =	simm.s32 $0x108;
	_ =	swait.ge @!p0 [sflag:s8], $0x0  }
0x24: {  	s3 =	sadd.s32 $0x88, s3;
	s6 =	simm.s32 @!p1 $0x1082;
	[sflag:s4] =	ssyncset.s32 $0xFFFFF086  }
0x25: {  	[simem:s6], [sflag:s4] =	dma.local [hbm:s3], $0xF7A  }
0x26: {  	[smem:$0x3F9E] =	sst s1;
	(tag) =	ssettag s2;
	_ =	strace s9  }
0x27: {  	s1 =	sld [smem:$0x3FAE]  }
0x28: {  	s2 =	sld [smem:$0x3FAF]  }
0x29: {  	s4 =	sld [smem:$0x3FB1]  }
0x2a: {  	p0 =	seq.s32 s5, $0x0;
	s5 =	sld [smem:$0x3FB2]  }
0x2b: {  	s6 =	sld [smem:$0x3FB3]  }
0x2c: {  	s7 =	sld [smem:$0x3FB4]  }
0x2d: {  	s3 =	simm.s32 $0x108;
	s8 =	sld [smem:$0x3FB5]  }
0x2e: {  	s3 =	simm.s32 @!p0 $0x1082;
	s9 =	sld [smem:$0x3FB6]  }
0x2f: {  	lr =	sadd.s32 s0, s3;
	s0 =	sld [smem:$0x3FAD]  }
0x30: {  	s3 =	sld [smem:$0x3FB0]  }
0x31: {  	[smem:$0x3FB9] =	sst s10  }
0x32: {  	s10 =	sld [smem:$0x3FB7];
	_ =	sdelay $0x3  }
0x33: {  	p0 =	seq.s32 s10, $0x1;
	s10 =	sld [smem:$0x3FB9];
	_ =	sdelay $0x3  }
0x34: {  	[smem:$0x3FB9] =	sst s10  }
0x35: {  	s10 =	sld [smem:$0x3FB8];
	_ =	sdelay $0x3  }
0x36: {  	p1 =	seq.s32 s10, $0x1;
	s10 =	sld [smem:$0x3FB9];
	_ =	sdelay $0x3  }
0x37: {  	[smem:$0x3FB9] =	sst s10  }
0x38: {  	s10 =	sld [smem:$0x3FBA]  }
0x39: {  	_ = 	snop;
	(pc) =	sbr.ind lr, $3  }
0x3a: {  	_ = 	snop  }
0x3b: {  	_ = 	snop  }
0x3c: {  	p2 =	seq.s32 s10, $0x1;
	s10 =	sld [smem:$0x3FB9]  }
0x3d: {  	_ =	shalt  }
0x3e: {  	_ =	shalt  }
0x3f: {  	_ =	shalt  }
0x40: {  	_ =	shalt  }
0x41: {  	_ =	shalt  }
0x42: {  	_ =	shalt  }
0x43: {  	_ =	shalt  }
0x44: {  	_ =	shalt  }
0x45: {  	_ =	shalt  }
0x46: {  	_ =	shalt  }
0x47: {  	_ =	shalt  }
0x48: {  	_ =	shalt  }
0x49: {  	_ =	shalt  }
0x4a: {  	_ =	shalt  }
0x4b: {  	_ =	shalt  }
0x4c: {  	_ =	shalt  }
0x4d: {  	_ =	shalt  }
0x4e: {  	_ =	shalt  }
0x4f: {  	_ =	shalt  }
0x50: {  	_ =	shalt  }
0x51: {  	_ =	shalt  }
0x52: {  	_ =	shalt  }
0x53: {  	_ =	shalt  }
0x54: {  	_ =	shalt  }
0x55: {  	_ =	shalt  }
0x56: {  	_ =	shalt  }
0x57: {  	_ =	shalt  }
0x58: {  	_ =	shalt  }
0x59: {  	_ =	shalt  }
0x5a: {  	_ =	shalt  }
0x5b: {  	_ =	shalt  }
0x5c: {  	_ =	shalt  }
0x5d: {  	_ =	shalt  }
0x5e: {  	_ =	shalt  }
0x5f: {  	_ =	shalt  }
0x60: {  	_ =	shalt  }
0x61: {  	_ =	shalt  }
0x62: {  	_ =	shalt  }
0x63: {  	_ =	shalt  }
0x64: {  	_ =	shalt  }
0x65: {  	_ =	shalt  }
0x66: {  	_ =	shalt  }
0x67: {  	_ =	shalt  }
0x68: {  	_ =	shalt  }
0x69: {  	_ =	shalt  }
0x6a: {  	_ =	shalt  }
0x6b: {  	_ =	shalt  }
0x6c: {  	_ =	shalt  }
0x6d: {  	_ =	shalt  }
0x6e: {  	_ =	shalt  }
0x6f: {  	_ =	shalt  }
0x70: {  	_ =	shalt  }
0x71: {  	_ =	shalt  }
0x72: {  	_ =	shalt  }
0x73: {  	_ =	shalt  }
0x74: {  	_ =	shalt  }
0x75: {  	_ =	shalt  }
0x76: {  	_ =	shalt  }
0x77: {  	_ =	shalt  }
0x78: {  	_ =	shalt  }
0x79: {  	_ =	shalt  }
0x7a: {  	_ =	shalt  }
0x7b: {  	_ =	shalt  }
0x7c: {  	_ =	shalt  }
0x7d: {  	_ =	shalt  }
0x7e: {  	_ =	shalt  }
0x7f: {  	_ =	shalt  }
0x80: {  	_ =	shalt  }
0x81: {  	_ =	shalt  }
0x82: {  	_ =	shalt  }
0x83: {  	_ =	shalt  }
0x84: {  	_ =	shalt  }
0x85: {  	_ =	shalt  }
0x86: {  	_ =	shalt  }
0x87: {  	_ =	shalt  }
.Lfunc_end0:
.L_simem_size_0:
called_computation.1_lowered:
.L_overlay_start_0:
0x88: {  	s2 =	sld [smem:$0x3FD9]  }
0x89: {  	s3 =	sld [smem:$0x3FFE];
	_ =	sdelay $0x1  }
0x8a: {  	s1 =	srdreg.scid  }
0x8b: {  	s0 =	sand.u32 $0x1, s1  }
0x8c: {  	s14 =	sshll.u32 s0, $0xA;
	s2 =	sadd.s32 s3, s2  }
0x8d: {  	s2 =	sadd.s32 s2, s14  }
0x8e: {  	[smem:$0x3FC5] =	sst s2  }
0x8f: {  	_ = 	snop  }
0x90: {  	s2 =	sld [smem:$0x3FD0];
	_ =	sdelay $0x2  }
0x91: {  	s15 =	simm.s32 $0xA;
	s4 =	simm.s32 $0x10  }
0x92: {  	[smem:s4], [sflag:s15] =	dma.local [hbm:s2], $0x1  }
0x93: {  	_ =	swait.eq [sflag:s15], $0x1  }
0x94: {  	[sflag:s15] =	ssyncset.done $0x0  }
0x95: {  	[sflag:s15] =	ssyncadd.s32 $0xFFFFFFFF  }
0x96: {  	s16 =	sld [smem:$0x10];
	(tm) =	ssettm $0x1  }
0x97: {  	s17 =	sld [smem:$0x3FFB];
	_ =	sdelay $0x3  }
0x98: {  	_ =	strace s17  }
0x99: {  	s3 =	sld [smem:$0x3FFC];
	_ =	sdelay $0x3  }
0x9a: {  	_ =	strace s3  }
0x9b: {  	s3 =	sld [smem:$0x3FFD];
	_ =	sdelay $0x3  }
0x9c: {  	_ =	strace s3  }
0x9d: {  	_ =	strace $0x8FFFFFFF  }
0x9e: {  	s18 =	sld [smem:$0x3FDB];
	_ =	sdelay $0x1  }
0x9f: {  	s19 =	simm.s32 $_scs_section_size  }
0xa0: {  	s5 =	simm.s32 $_size__tile_overlayer_lowered;
	s6 =	simm.s32 $_tile_overlayer_lowered  }
0xa1: {  	s22 =	simm.s32 $0x1BFF;
	s21 =	sshll.u32 s6, $0x1;
	s3 =	sadd.s32 s19, s18  }
0xa2: {  	s7 =	simm.s32 $0x0;
	s20 =	sshll.u32 s5, $0x1;
	s5 =	sadd.s32 s21, s3  }
0xa3: {  	[timem:s7], [sflag:s22] =	dma.local [hbm:s5], s20  }
0xa4: {  	_ =	swait.ge [sflag:s22], s20  }
0xa5: {  	s4 =	ssub.s32 $0x0, s20;
	[sflag:s22] =	ssyncset.done $0x0  }
0xa6: {  	[sflag:s22] =	ssyncadd.s32 s4;
	_ =	sdelay $0x1  }
0xa7: {  	s23 =	simm.s32 $0x1B8B  }
0xa8: {  	_ =	swait.ge [sflag:s23], $0x1  }
0xa9: {  	[sflag:s23] =	ssyncset.done $0x0  }
0xaa: {  	s25 =	simm.s32 $0x1B8E;
	s24 =	sld [smem:$0x3FFE];
	[sflag:s23] =	ssyncadd.s32 $0xFFFFFFFF  }
0xab: {  	s26 =	simm.s32 $execute0_lowered;
	[smem:$0x3FD2] =	sst s25  }
0xac: {  	s5 =	sshll.u32 s26, $0x1;
	_ =	strace $0x80000049;
	[dreg:$0x1] =	wrdreg $0xFFFFFFFF  }
0xad: {  	s28 =	simm.s32 $_size_execute0_lowered;
	s3 =	sadd.s32 s3, s5;
	[dreg:$0x0] =	wrdreg $0x0  }
0xae: {  	s5 =	sshll.u32 s28, $0x1;
	[dreg:$0x2] =	wrdreg s3  }
0xaf: {  	[dreg:$0x3] =	wrdreg s5  }
0xb0: {  	[dreg:$0x4] =	wrdreg $0xC0  }
0xb1: {  	_ =	task [dreg:s7], $0x5FFFF  }
0xb2: {  	[dreg:$0x1] =	wrdreg $0xFFFFFFFF  }
0xb3: {  	[dreg:$0x0] =	wrdreg $0x60  }
0xb4: {  	[dreg:$0x2] =	wrdreg s24  }
0xb5: {  	[dreg:$0x3] =	wrdreg s16  }
0xb6: {  	[dreg:$0x4] =	wrdreg $0x9  }
0xb7: {  	_ =	task.clear_ibuf [dreg:s7], $0x5FFFF;
	_ =	strace $0x90000049  }
0xb8: {  	s29 =	simm.s32 $0x9;
	_ =	strace $0x8000004B  }
0xb9: {  	_ =	swait.ge [sflag:s29], $0x1  }
0xba: {  	[sflag:s29] =	ssyncadd.s32 $0xFFFFFFFF  }
0xbb: {  	_ =	strace $0x9000004B  }
0xbc: {  	_ =	sfence  }
0xbd: {  	s30 =	sld [smem:$0x0];
	_ =	sdelay $0x2  }
0xbe: {  	s31 =	sshll.u32 s1, $0xD;
	s1 =	sshrl.u32 s1, $0x2  }
0xbf: {  	s3 =	sand.u32 $0x4000, s31;
	s1 =	sadd.s32 s1, s30  }
0xc0: {  	s0 =	sor.u32 s3, s0;
	s1 =	sshll.u32 s1, $0x11  }
0xc1: {  	s0 =	sor.u32 s1, s0  }
0xc2: {  	s0 =	sadd.s32 $0x8F2B, s0  }
0xc3: {  	[sflag:s0] =	ssyncadd.remote.s32 $0x1  }
0xc4: {  	_ =	sfence.sel $0xFFFF  }
0xc5: {  	[dreg:$0x0] =	wrdreg $0xFFFFFFFF;
	(pc) =	sbr.abs _section_cstart, $3  }
0xc6: {  	[dreg:$0x1] =	wrdreg $0xFFFFFFFF  }
0xc7: {  	_ =	task.clear_ibuf [dreg:s7], $0x2FFFF;
	_ =	strace $0x9FFFFFFF  }
0xc8: {  	(tm) =	ssettm $0x7FFFFFFF  }
0xc9: {  	_ =	shalt  }
tec
execute0_lowered:
.L_overlay_start_1:
0x0: {  	(tag) =	ssettag $0x1  }
0x1: {  	s1 =	srdreg.scid  }
0x2: {  	s0 =	stileid.u32;
	s23 =	sand.u32 $0x1, s1  }
0x3: {  	s5 =	rddreg [dreg:$0x0];
	s31 =	sshll.u32 s0, $0x4;
	s2 =	sshll.u32 s23, $0x3  }
0x4: {  	s22 =	rddreg [dreg:$0x1];
	s24 =	sor.u32 s2, s31  }
0x5: {  	s1 =	rddreg [dreg:$0x2];
	s2 =	simm.s32 $0x0;
	s3 =	sshll.u32 s24, $0x4  }
0x6: {  	[smem:$0x7FF] =	sst s2;
	s3 =	sadd.s32 s3, s5  }
0x7: {  	_ =	strace $0x8000004A;
	s4 =	sadd.s32 $0x200000, s3;
	s3 =	simm.s32 $0x2  }
0x8: {  	[tilespmem:s2], [sflag:$0x2] =	stream.linear.gather [hbm4b:s4+s2], $0x400, $0x38;
	[tilespmem:$0x10400] =	vst v63  }
0x9: {  	_ =	swait.ge [sflag:s3], $0x400  }
0xa: {  	s6 =	simm.s32 $0x80;
	[sflag:s3] =	ssyncset.done $0x0  }
0xb: {  	s7 =	simm.s32 $0x400;
	s5 =	sadd.s32 $0x280000, s5;
	[sflag:s3] =	ssyncadd.s32 $0xFFFFFC00  }
0xc: {  	[tilespmem:s7], [sflag:$0x1] =	stream.indirect.gather [hbm4b:s5+s6], $0x40, s2, s6, $0xb8;
	[tilespmem:$0x10400] =	vst v63  }
0xd: {  	s8 =	simm.s32 $0x2400  }
0xe: {  	[tilespmem:s8], [sflag:$0x1] =	stream.indirect.gather [hbm4b:s5+s6], $0x40, s6, s6, $0xb8;
	[tilespmem:$0x10400] =	vst v63  }
0xf: {  	s9 =	simm.s32 $0x100;
	s10 =	simm.s32 $0x4400  }
0x10: {  	[tilespmem:s10], [sflag:$0x1] =	stream.indirect.gather [hbm4b:s5+s6], $0x40, s9, s6, $0xb8;
	[tilespmem:$0x10400] =	vst v63  }
0x11: {  	s11 =	simm.s32 $0x180;
	s12 =	simm.s32 $0x6400  }
0x12: {  	[tilespmem:s12], [sflag:$0x1] =	stream.indirect.gather [hbm4b:s5+s6], $0x40, s11, s6, $0xb8;
	[tilespmem:$0x10400] =	vst v63  }
0x13: {  	s13 =	simm.s32 $0x200;
	s14 =	simm.s32 $0x8400  }
0x14: {  	[tilespmem:s14], [sflag:$0x1] =	stream.indirect.gather [hbm4b:s5+s6], $0x40, s13, s6, $0xb8;
	[tilespmem:$0x10400] =	vst v63  }
0x15: {  	s15 =	simm.s32 $0x280;
	s16 =	simm.s32 $0xA400  }
0x16: {  	[tilespmem:s16], [sflag:$0x1] =	stream.indirect.gather [hbm4b:s5+s6], $0x40, s15, s6, $0xb8;
	[tilespmem:$0x10400] =	vst v63  }
0x17: {  	s17 =	simm.s32 $0x300;
	s18 =	simm.s32 $0xC400  }
0x18: {  	[tilespmem:s18], [sflag:$0x1] =	stream.indirect.gather [hbm4b:s5+s6], $0x40, s17, s6, $0xb8;
	[tilespmem:$0x10400] =	vst v63  }
0x19: {  	s19 =	simm.s32 $0x380;
	s20 =	simm.s32 $0xE400;
	s21 =	simm.s32 $0x1  }
0x1a: {  	[tilespmem:s20], [sflag:$0x1] =	stream.indirect.gather [hbm4b:s5+s6], $0x40, s19, s6, $0xb8;
	[tilespmem:$0x10400] =	vst v63  }
0x1b: {  	_ =	swait.ge [sflag:s21], $0x2000  }
0x1c: {  	[sflag:s21] =	ssyncset.done $0x0  }
0x1d: {  	[sflag:s21] =	ssyncadd.s32 $0xFFFFE000  }
0x1e: {  	_ =	swait.ge [sflag:s21], $0x2000  }
0x1f: {  	[sflag:s21] =	ssyncset.done $0x0  }
0x20: {  	[sflag:s21] =	ssyncadd.s32 $0xFFFFE000  }
0x21: {  	_ =	swait.ge [sflag:s21], $0x2000  }
0x22: {  	[sflag:s21] =	ssyncset.done $0x0  }
0x23: {  	[sflag:s21] =	ssyncadd.s32 $0xFFFFE000  }
0x24: {  	_ =	swait.ge [sflag:s21], $0x2000  }
0x25: {  	[sflag:s21] =	ssyncset.done $0x0  }
0x26: {  	[sflag:s21] =	ssyncadd.s32 $0xFFFFE000  }
0x27: {  	_ =	swait.ge [sflag:s21], $0x2000  }
0x28: {  	[sflag:s21] =	ssyncset.done $0x0  }
0x29: {  	[sflag:s21] =	ssyncadd.s32 $0xFFFFE000  }
0x2a: {  	_ =	swait.ge [sflag:s21], $0x2000  }
0x2b: {  	[sflag:s21] =	ssyncset.done $0x0  }
0x2c: {  	s23 =	ssub.s32 $0x2, s23;
	[sflag:s21] =	ssyncadd.s32 $0xFFFFE000  }
0x2d: {  	s25 =	sshrl.u32 s23, $0x1;
	_ =	swait.ge [sflag:s21], $0x2000  }
0x2e: {  	s23 =	ssub.s32 s23, s25;
	[sflag:s21] =	ssyncset.done $0x0  }
0x2f: {  	s23 =	smax.u32 s23, $0x1;
	[sflag:s21] =	ssyncadd.s32 $0xFFFFE000  }
0x30: {  	p0 =	sne.s32 s23, $0x1;
	_ =	swait.ge [sflag:s21], $0x2000  }
.Ltmp0:
0x31: {  	s24 =	sshll.u32 s24, $0xA;
	[sflag:s21] =	ssyncset.done $0x0;
	(pc) =	sbr.rel @!p0 .LBB2_2-.Ltmp0, $4  }
0x32: {  	s22 =	sadd.s32 s22, s24;
	[sflag:s21] =	ssyncadd.s32 $0xFFFFE000  }
0x33: {  	[hbm4b:s22+s2] =	stream.linear.scatter [tilespmem:s7], [sflag:$0x2], $0x10000, $0x38;
	[tilespmem:$0x10400] =	vst v63  }
0x34: {  	_ =	swait.ge [sflag:s3], $0x10000  }
0x35: {  	s23 =	sadd.s32 $0xFFFFFFFF, s23;
	[sflag:s3] =	ssyncset.done $0x0  }
.LBB2_1:
0x36: {  	p0 =	sne.s32 s23, $0x1;
	s23 =	sadd.s32 $0xFFFFFFFF, s23;
	[sflag:s3] =	ssyncadd.s32 $0xFFFF0000  }
0x37: {  	[tilespmem:s2], [sflag:$0x2] =	stream.linear.gather [hbm4b:s4+s2], $0x400, $0x38;
	[tilespmem:$0x10400] =	vst v63  }
0x38: {  	_ =	swait.ge [sflag:s3], $0x400  }
0x39: {  	[sflag:s3] =	ssyncset.done $0x0  }
0x3a: {  	[sflag:s3] =	ssyncadd.s32 $0xFFFFFC00  }
0x3b: {  	[tilespmem:s7], [sflag:$0x1] =	stream.indirect.gather [hbm4b:s5+s6], $0x40, s2, s6, $0xb8;
	[tilespmem:$0x10400] =	vst v63  }
0x3c: {  	_ = 	snop  }
0x3d: {  	[tilespmem:s8], [sflag:$0x1] =	stream.indirect.gather [hbm4b:s5+s6], $0x40, s6, s6, $0xb8;
	[tilespmem:$0x10400] =	vst v63  }
0x3e: {  	_ = 	snop  }
0x3f: {  	[tilespmem:s10], [sflag:$0x1] =	stream.indirect.gather [hbm4b:s5+s6], $0x40, s9, s6, $0xb8;
	[tilespmem:$0x10400] =	vst v63  }
0x40: {  	_ = 	snop  }
0x41: {  	[tilespmem:s12], [sflag:$0x1] =	stream.indirect.gather [hbm4b:s5+s6], $0x40, s11, s6, $0xb8;
	[tilespmem:$0x10400] =	vst v63  }
0x42: {  	_ = 	snop  }
0x43: {  	[tilespmem:s14], [sflag:$0x1] =	stream.indirect.gather [hbm4b:s5+s6], $0x40, s13, s6, $0xb8;
	[tilespmem:$0x10400] =	vst v63  }
0x44: {  	_ = 	snop  }
0x45: {  	[tilespmem:s16], [sflag:$0x1] =	stream.indirect.gather [hbm4b:s5+s6], $0x40, s15, s6, $0xb8;
	[tilespmem:$0x10400] =	vst v63  }
0x46: {  	_ = 	snop  }
0x47: {  	[tilespmem:s18], [sflag:$0x1] =	stream.indirect.gather [hbm4b:s5+s6], $0x40, s17, s6, $0xb8;
	[tilespmem:$0x10400] =	vst v63  }
0x48: {  	_ = 	snop  }
0x49: {  	[tilespmem:s20], [sflag:$0x1] =	stream.indirect.gather [hbm4b:s5+s6], $0x40, s19, s6, $0xb8;
	[tilespmem:$0x10400] =	vst v63  }
0x4a: {  	_ =	swait.ge [sflag:s21], $0x2000  }
0x4b: {  	[sflag:s21] =	ssyncset.done $0x0  }
0x4c: {  	[sflag:s21] =	ssyncadd.s32 $0xFFFFE000  }
0x4d: {  	_ =	swait.ge [sflag:s21], $0x2000  }
0x4e: {  	[sflag:s21] =	ssyncset.done $0x0  }
0x4f: {  	[sflag:s21] =	ssyncadd.s32 $0xFFFFE000  }
0x50: {  	_ =	swait.ge [sflag:s21], $0x2000  }
0x51: {  	[sflag:s21] =	ssyncset.done $0x0  }
0x52: {  	[sflag:s21] =	ssyncadd.s32 $0xFFFFE000  }
0x53: {  	_ =	swait.ge [sflag:s21], $0x2000  }
0x54: {  	[sflag:s21] =	ssyncset.done $0x0  }
0x55: {  	[sflag:s21] =	ssyncadd.s32 $0xFFFFE000  }
0x56: {  	_ =	swait.ge [sflag:s21], $0x2000  }
0x57: {  	[sflag:s21] =	ssyncset.done $0x0  }
0x58: {  	[sflag:s21] =	ssyncadd.s32 $0xFFFFE000  }
0x59: {  	_ =	swait.ge [sflag:s21], $0x2000  }
0x5a: {  	[sflag:s21] =	ssyncset.done $0x0  }
0x5b: {  	[sflag:s21] =	ssyncadd.s32 $0xFFFFE000  }
0x5c: {  	_ =	swait.ge [sflag:s21], $0x2000  }
0x5d: {  	[sflag:s21] =	ssyncset.done $0x0  }
0x5e: {  	[sflag:s21] =	ssyncadd.s32 $0xFFFFE000  }
0x5f: {  	_ =	swait.ge [sflag:s21], $0x2000  }
.Ltmp1:
0x60: {  	[sflag:s21] =	ssyncset.done $0x0;
	(pc) =	sbr.rel @p0 .LBB2_1-.Ltmp1, $4  }
0x61: {  	[sflag:s21] =	ssyncadd.s32 $0xFFFFE000  }
0x62: {  	[hbm4b:s22+s2] =	stream.linear.scatter [tilespmem:s7], [sflag:$0x2], $0x10000, $0x38;
	[tilespmem:$0x10400] =	vst v63  }
0x63: {  	_ =	swait.ge [sflag:s3], $0x10000  }
0x64: {  	[sflag:s3] =	ssyncset.done $0x0  }
.LBB2_2:
0x65: {  	[sflag:s3] =	ssyncadd.s32 $0xFFFF0000  }
0x66: {  	_ =	sfence.sel $0x180000  }
0x67: {  	[bflag:$0x0] =	sbarrier.arrive $0xFFFF  }
0x68: {  	p0 =	sne.s32 s0, $0x0;
	_ =	strace $0x9000004A  }
0x69: {  	s0 =	sadd.s32 @!p0 $0x100000, s1;
	[bflag:$0x2] =	sbarrier.arrive $0xFFFF  }
0x6a: {  	[sflag:s0] =	ssyncadd.tile.s32 @!p0 $0x1;
	_ =	shalt  }
.Lfunc_end2:
_tile_overlayer_lowered:
.L_overlay_start_2:
0x6b: {  	(tag) =	ssettag $0x2  }
0x6c: {  	s0 =	rddreg [dreg:$0x0];
	s2 =	stileid.u32  }
0x6d: {  	s1 =	rddreg [dreg:$0x1];
	p0 =	sne.s32 s2, $0x0  }
0x6e: {  	s3 =	rddreg [dreg:$0x2];
	[bflag:$0x3] =	sbarrier.arrive $0xFFFF;
	s2 =	simm.s32 @!p0 $0x1C02  }
0x6f: {  	[timem:s3], [sflag:s2] =	dma.local @!p0 [hbm:s0], s1  }
0x70: {  	s0 =	simm.s32 @!p0 $0x2  }
0x71: {  	_ =	swait.ge @!p0 [sflag:s0], s1  }
0x72: {  	s1 =	ssub.s32 @!p0 $0x0, s1;
	[sflag:s0] =	ssyncset.done @!p0 $0x0  }
0x73: {  	[sflag:s0] =	ssyncadd.s32 @!p0 s1  }
0x74: {  	[bflag:$0x3] =	sbarrier.arrive $0xFFFF  }
0x75: {  	_ =	shalt  }

// kernel: kernel.7.cloned.1.call-start
scs
__scs_entry_jumppad:
0x0: {  	(pc) =	sbr.rel $0x88, $3  }
0x1: {  	(tag) =	ssettag $0x0;
	lr =	simm.s32 $0x1  }
0x2: {  	[smem:$0x3F9E] =	sst lr;
	_ =	strace $0xD0000000  }
0x3: {  	_ = 	snop  }
0x4: {  	_ = 	snop  }
0x5: {  	_ = 	snop  }
0x6: {  	_ = 	snop  }
0x7: {  	_ = 	snop  }
__scs_overlays_trampoline_lowered:
0x8: {  	[smem:$0x3FAD] =	sst s0  }
0x9: {  	[smem:$0x3FAE] =	sst s1  }
0xa: {  	[smem:$0x3FAF] =	sst s2  }
0xb: {  	[smem:$0x3FB0] =	sst s3  }
0xc: {  	[smem:$0x3FB1] =	sst s4  }
0xd: {  	[smem:$0x3FB2] =	sst s5  }
0xe: {  	[smem:$0x3FB3] =	sst s6  }
0xf: {  	[smem:$0x3FB4] =	sst s7  }
0x10: {  	[smem:$0x3FB5] =	sst s8  }
0x11: {  	[smem:$0x3FB6] =	sst s9;
	s0 =	simm.s32 @!p0 $0x0  }
0x12: {  	s1 =	sld [smem:$0x3F9C];
	s0 =	simm.s32 @p0 $0x1  }
0x13: {  	[smem:$0x3FB7] =	sst s0;
	s0 =	simm.s32 @!p1 $0x0  }
0x14: {  	s2 =	sld [smem:$0x3F9B];
	s0 =	simm.s32 @p1 $0x1  }
0x15: {  	[smem:$0x3FB8] =	sst s0;
	s0 =	simm.s32 @!p2 $0x0  }
0x16: {  	s3 =	sld [smem:$0x3FDB];
	s0 =	simm.s32 @p2 $0x1  }
0x17: {  	s4 =	simm.s32 $0x1BF5;
	[smem:$0x3FBA] =	sst s0  }
0x18: {  	s0 =	sld [smem:$0x3F9D];
	_ =	swait.ge [sflag:s4], $0x0  }
0x19: {  	s7 =	sld [smem:$0x3F9E]  }
0x1a: {  	s8 =	sadd.s32 $0xFFFFE003, lr  }
0x1b: {  	s9 =	sadd.s32 $0xFFFFFEF7, lr;
	s5 =	simm.s32 $0xFFFFFFFF;
	p2 =	slt.u32 s8, $0xFFFFF086  }
0x1c: {  	p1 =	slt.u32 s9, $0xF7A;
	s5 =	simm.s32 @!p2 $0x0  }
0x1d: {  	s5 =	simm.s32 @p1 $0x1;
	p0 =	seq.s32 s7, s2  }
0x1e: {  	s7 =	smul.u32 @!p0 $0xF7A, s2;
	p2 =	seq.s32 @!p0 s5, $0x0  }
0x1f: {  	s9 =	smul.u32 $0xF7A, s1;
	s8 =	simm.s32 @!p0 $0x1BF5;
	p2 =	por !p2, p0  }
0x20: {  	[sflag:s8] =	ssyncset.s32 @!p0 $0xFFFFF086;
	s6 =	sadd.s32 @!p0 s3, s7;
	s7 =	simm.s32 @!p0 $0x108  }
0x21: {  	s3 =	sadd.s32 s3, s9;
	s6 =	sadd.s32 @!p0 $0x88, s6;
	s7 =	simm.s32 @p2 $0x1082  }
0x22: {  	[simem:s7], [sflag:s8] =	dma.local @!p0 [hbm:s6], $0xF7A  }
0x23: {  	s9 =	sor.u32 $0xD0000000, s2;
	s6 =	simm.s32 $0x108;
	_ =	swait.ge @!p0 [sflag:s8], $0x0  }
0x24: {  	s3 =	sadd.s32 $0x88, s3;
	s6 =	simm.s32 @!p1 $0x1082;
	[sflag:s4] =	ssyncset.s32 $0xFFFFF086  }
0x25: {  	[simem:s6], [sflag:s4] =	dma.local [hbm:s3], $0xF7A  }
0x26: {  	[smem:$0x3F9E] =	sst s1;
	(tag) =	ssettag s2;
	_ =	strace s9  }
0x27: {  	s1 =	sld [smem:$0x3FAE]  }
0x28: {  	s2 =	sld [smem:$0x3FAF]  }
0x29: {  	s4 =	sld [smem:$0x3FB1]  }
0x2a: {  	p0 =	seq.s32 s5, $0x0;
	s5 =	sld [smem:$0x3FB2]  }
0x2b: {  	s6 =	sld [smem:$0x3FB3]  }
0x2c: {  	s7 =	sld [smem:$0x3FB4]  }
0x2d: {  	s3 =	simm.s32 $0x108;
	s8 =	sld [smem:$0x3FB5]  }
0x2e: {  	s3 =	simm.s32 @!p0 $0x1082;
	s9 =	sld [smem:$0x3FB6]  }
0x2f: {  	lr =	sadd.s32 s0, s3;
	s0 =	sld [smem:$0x3FAD]  }
0x30: {  	s3 =	sld [smem:$0x3FB0]  }
0x31: {  	[smem:$0x3FB9] =	sst s10  }
0x32: {  	s10 =	sld [smem:$0x3FB7];
	_ =	sdelay $0x3  }
0x33: {  	p0 =	seq.s32 s10, $0x1;
	s10 =	sld [smem:$0x3FB9];
	_ =	sdelay $0x3  }
0x34: {  	[smem:$0x3FB9] =	sst s10  }
0x35: {  	s10 =	sld [smem:$0x3FB8];
	_ =	sdelay $0x3  }
0x36: {  	p1 =	seq.s32 s10, $0x1;
	s10 =	sld [smem:$0x3FB9];
	_ =	sdelay $0x3  }
0x37: {  	[smem:$0x3FB9] =	sst s10  }
0x38: {  	s10 =	sld [smem:$0x3FBA]  }
0x39: {  	_ = 	snop;
	(pc) =	sbr.ind lr, $3  }
0x3a: {  	_ = 	snop  }
0x3b: {  	_ = 	snop  }
0x3c: {  	p2 =	seq.s32 s10, $0x1;
	s10 =	sld [smem:$0x3FB9]  }
0x3d: {  	_ =	shalt  }
0x3e: {  	_ =	shalt  }
0x3f: {  	_ =	shalt  }
0x40: {  	_ =	shalt  }
0x41: {  	_ =	shalt  }
0x42: {  	_ =	shalt  }
0x43: {  	_ =	shalt  }
0x44: {  	_ =	shalt  }
0x45: {  	_ =	shalt  }
0x46: {  	_ =	shalt  }
0x47: {  	_ =	shalt  }
0x48: {  	_ =	shalt  }
0x49: {  	_ =	shalt  }
0x4a: {  	_ =	shalt  }
0x4b: {  	_ =	shalt  }
0x4c: {  	_ =	shalt  }
0x4d: {  	_ =	shalt  }
0x4e: {  	_ =	shalt  }
0x4f: {  	_ =	shalt  }
0x50: {  	_ =	shalt  }
0x51: {  	_ =	shalt  }
0x52: {  	_ =	shalt  }
0x53: {  	_ =	shalt  }
0x54: {  	_ =	shalt  }
0x55: {  	_ =	shalt  }
0x56: {  	_ =	shalt  }
0x57: {  	_ =	shalt  }
0x58: {  	_ =	shalt  }
0x59: {  	_ =	shalt  }
0x5a: {  	_ =	shalt  }
0x5b: {  	_ =	shalt  }
0x5c: {  	_ =	shalt  }
0x5d: {  	_ =	shalt  }
0x5e: {  	_ =	shalt  }
0x5f: {  	_ =	shalt  }
0x60: {  	_ =	shalt  }
0x61: {  	_ =	shalt  }
0x62: {  	_ =	shalt  }
0x63: {  	_ =	shalt  }
0x64: {  	_ =	shalt  }
0x65: {  	_ =	shalt  }
0x66: {  	_ =	shalt  }
0x67: {  	_ =	shalt  }
0x68: {  	_ =	shalt  }
0x69: {  	_ =	shalt  }
0x6a: {  	_ =	shalt  }
0x6b: {  	_ =	shalt  }
0x6c: {  	_ =	shalt  }
0x6d: {  	_ =	shalt  }
0x6e: {  	_ =	shalt  }
0x6f: {  	_ =	shalt  }
0x70: {  	_ =	shalt  }
0x71: {  	_ =	shalt  }
0x72: {  	_ =	shalt  }
0x73: {  	_ =	shalt  }
0x74: {  	_ =	shalt  }
0x75: {  	_ =	shalt  }
0x76: {  	_ =	shalt  }
0x77: {  	_ =	shalt  }
0x78: {  	_ =	shalt  }
0x79: {  	_ =	shalt  }
0x7a: {  	_ =	shalt  }
0x7b: {  	_ =	shalt  }
0x7c: {  	_ =	shalt  }
0x7d: {  	_ =	shalt  }
0x7e: {  	_ =	shalt  }
0x7f: {  	_ =	shalt  }
0x80: {  	_ =	shalt  }
0x81: {  	_ =	shalt  }
0x82: {  	_ =	shalt  }
0x83: {  	_ =	shalt  }
0x84: {  	_ =	shalt  }
0x85: {  	_ =	shalt  }
0x86: {  	_ =	shalt  }
0x87: {  	_ =	shalt  }
.Lfunc_end0:
.L_simem_size_0:
called_computation_lowered:
.L_overlay_start_0:
0x88: {  	s2 =	sld [smem:$0x3FD9]  }
0x89: {  	s3 =	sld [smem:$0x3FFE];
	_ =	sdelay $0x1  }
0x8a: {  	s1 =	srdreg.scid  }
0x8b: {  	s0 =	sand.u32 $0x1, s1  }
0x8c: {  	s14 =	sshll.u32 s0, $0xA;
	s2 =	sadd.s32 s3, s2  }
0x8d: {  	s2 =	sadd.s32 s2, s14  }
0x8e: {  	[smem:$0x3FC5] =	sst s2  }
0x8f: {  	_ = 	snop  }
0x90: {  	s2 =	sld [smem:$0x3FD0];
	_ =	sdelay $0x2  }
0x91: {  	s15 =	simm.s32 $0xA;
	s4 =	simm.s32 $0x10  }
0x92: {  	[smem:s4], [sflag:s15] =	dma.local [hbm:s2], $0x1  }
0x93: {  	_ =	swait.eq [sflag:s15], $0x1  }
0x94: {  	[sflag:s15] =	ssyncset.done $0x0  }
0x95: {  	[sflag:s15] =	ssyncadd.s32 $0xFFFFFFFF  }
0x96: {  	s16 =	sld [smem:$0x10];
	(tm) =	ssettm $0x1  }
0x97: {  	s17 =	sld [smem:$0x3FFB];
	_ =	sdelay $0x3  }
0x98: {  	_ =	strace s17  }
0x99: {  	s3 =	sld [smem:$0x3FFC];
	_ =	sdelay $0x3  }
0x9a: {  	_ =	strace s3  }
0x9b: {  	s3 =	sld [smem:$0x3FFD];
	_ =	sdelay $0x3  }
0x9c: {  	_ =	strace s3  }
0x9d: {  	_ =	strace $0x8FFFFFFF  }
0x9e: {  	s18 =	sld [smem:$0x3FDB];
	_ =	sdelay $0x1  }
0x9f: {  	s19 =	simm.s32 $_scs_section_size  }
0xa0: {  	s5 =	simm.s32 $_size__tile_overlayer_lowered;
	s6 =	simm.s32 $_tile_overlayer_lowered  }
0xa1: {  	s22 =	simm.s32 $0x1BFF;
	s21 =	sshll.u32 s6, $0x1;
	s3 =	sadd.s32 s19, s18  }
0xa2: {  	s7 =	simm.s32 $0x0;
	s20 =	sshll.u32 s5, $0x1;
	s5 =	sadd.s32 s21, s3  }
0xa3: {  	[timem:s7], [sflag:s22] =	dma.local [hbm:s5], s20  }
0xa4: {  	_ =	swait.ge [sflag:s22], s20  }
0xa5: {  	s4 =	ssub.s32 $0x0, s20;
	[sflag:s22] =	ssyncset.done $0x0  }
0xa6: {  	[sflag:s22] =	ssyncadd.s32 s4;
	_ =	sdelay $0x1  }
0xa7: {  	s23 =	simm.s32 $0x1B8B  }
0xa8: {  	_ =	swait.ge [sflag:s23], $0x1  }
0xa9: {  	[sflag:s23] =	ssyncset.done $0x0  }
0xaa: {  	s25 =	simm.s32 $0x1B8E;
	s24 =	sld [smem:$0x3FFE];
	[sflag:s23] =	ssyncadd.s32 $0xFFFFFFFF  }
0xab: {  	s26 =	simm.s32 $execute0_lowered;
	[smem:$0x3FD2] =	sst s25  }
0xac: {  	s5 =	sshll.u32 s26, $0x1;
	_ =	strace $0x80000046;
	[dreg:$0x1] =	wrdreg $0xFFFFFFFF  }
0xad: {  	s28 =	simm.s32 $_size_execute0_lowered;
	s3 =	sadd.s32 s3, s5;
	[dreg:$0x0] =	wrdreg $0x0  }
0xae: {  	s5 =	sshll.u32 s28, $0x1;
	[dreg:$0x2] =	wrdreg s3  }
0xaf: {  	[dreg:$0x3] =	wrdreg s5  }
0xb0: {  	[dreg:$0x4] =	wrdreg $0xC0  }
0xb1: {  	_ =	task [dreg:s7], $0x5FFFF  }
0xb2: {  	[dreg:$0x1] =	wrdreg $0xFFFFFFFF  }
0xb3: {  	[dreg:$0x0] =	wrdreg $0x60  }
0xb4: {  	[dreg:$0x2] =	wrdreg s24  }
0xb5: {  	[dreg:$0x3] =	wrdreg s16  }
0xb6: {  	[dreg:$0x4] =	wrdreg $0x9  }
0xb7: {  	_ =	task.clear_ibuf [dreg:s7], $0x5FFFF;
	_ =	strace $0x90000046  }
0xb8: {  	s29 =	simm.s32 $0x9;
	_ =	strace $0x80000048  }
0xb9: {  	_ =	swait.ge [sflag:s29], $0x1  }
0xba: {  	[sflag:s29] =	ssyncadd.s32 $0xFFFFFFFF  }
0xbb: {  	_ =	strace $0x90000048  }
0xbc: {  	_ =	sfence  }
0xbd: {  	s30 =	sld [smem:$0x0];
	_ =	sdelay $0x2  }
0xbe: {  	s31 =	sshll.u32 s1, $0xD;
	s1 =	sshrl.u32 s1, $0x2  }
0xbf: {  	s3 =	sand.u32 $0x4000, s31;
	s1 =	sadd.s32 s1, s30  }
0xc0: {  	s0 =	sor.u32 s3, s0;
	s1 =	sshll.u32 s1, $0x11  }
0xc1: {  	s0 =	sor.u32 s1, s0  }
0xc2: {  	s0 =	sadd.s32 $0x8F2B, s0  }
0xc3: {  	[sflag:s0] =	ssyncadd.remote.s32 $0x1  }
0xc4: {  	_ =	sfence.sel $0xFFFF  }
0xc5: {  	[dreg:$0x0] =	wrdreg $0xFFFFFFFF;
	(pc) =	sbr.abs _section_cstart, $3  }
0xc6: {  	[dreg:$0x1] =	wrdreg $0xFFFFFFFF  }
0xc7: {  	_ =	task.clear_ibuf [dreg:s7], $0x2FFFF;
	_ =	strace $0x9FFFFFFF  }
0xc8: {  	(tm) =	ssettm $0x7FFFFFFF  }
0xc9: {  	_ =	shalt  }
tec
execute0_lowered:
.L_overlay_start_1:
0x0: {  	(tag) =	ssettag $0x1  }
0x1: {  	s1 =	srdreg.scid  }
0x2: {  	s0 =	stileid.u32;
	s23 =	sand.u32 $0x1, s1  }
0x3: {  	s5 =	rddreg [dreg:$0x0];
	s31 =	sshll.u32 s0, $0x4;
	s2 =	sshll.u32 s23, $0x3  }
0x4: {  	s22 =	rddreg [dreg:$0x1];
	s24 =	sor.u32 s2, s31  }
0x5: {  	s1 =	rddreg [dreg:$0x2];
	s2 =	simm.s32 $0x0;
	s3 =	sshll.u32 s24, $0x4  }
0x6: {  	[smem:$0x7FF] =	sst s2;
	s3 =	sadd.s32 s3, s5  }
0x7: {  	_ =	strace $0x80000047;
	s4 =	sadd.s32 $0x100000, s3;
	s3 =	simm.s32 $0x2  }
0x8: {  	[tilespmem:s2], [sflag:$0x2] =	stream.linear.gather [hbm4b:s4+s2], $0x400, $0x38;
	[tilespmem:$0x10400] =	vst v63  }
0x9: {  	_ =	swait.ge [sflag:s3], $0x400  }
0xa: {  	s6 =	simm.s32 $0x80;
	[sflag:s3] =	ssyncset.done $0x0  }
0xb: {  	s7 =	simm.s32 $0x400;
	s5 =	sadd.s32 $0x200000, s5;
	[sflag:s3] =	ssyncadd.s32 $0xFFFFFC00  }
0xc: {  	[tilespmem:s7], [sflag:$0x1] =	stream.indirect.gather [hbm4b:s5+s6], $0x40, s2, s6, $0xb8;
	[tilespmem:$0x10400] =	vst v63  }
0xd: {  	s8 =	simm.s32 $0x2400  }
0xe: {  	[tilespmem:s8], [sflag:$0x1] =	stream.indirect.gather [hbm4b:s5+s6], $0x40, s6, s6, $0xb8;
	[tilespmem:$0x10400] =	vst v63  }
0xf: {  	s9 =	simm.s32 $0x100;
	s10 =	simm.s32 $0x4400  }
0x10: {  	[tilespmem:s10], [sflag:$0x1] =	stream.indirect.gather [hbm4b:s5+s6], $0x40, s9, s6, $0xb8;
	[tilespmem:$0x10400] =	vst v63  }
0x11: {  	s11 =	simm.s32 $0x180;
	s12 =	simm.s32 $0x6400  }
0x12: {  	[tilespmem:s12], [sflag:$0x1] =	stream.indirect.gather [hbm4b:s5+s6], $0x40, s11, s6, $0xb8;
	[tilespmem:$0x10400] =	vst v63  }
0x13: {  	s13 =	simm.s32 $0x200;
	s14 =	simm.s32 $0x8400  }
0x14: {  	[tilespmem:s14], [sflag:$0x1] =	stream.indirect.gather [hbm4b:s5+s6], $0x40, s13, s6, $0xb8;
	[tilespmem:$0x10400] =	vst v63  }
0x15: {  	s15 =	simm.s32 $0x280;
	s16 =	simm.s32 $0xA400  }
0x16: {  	[tilespmem:s16], [sflag:$0x1] =	stream.indirect.gather [hbm4b:s5+s6], $0x40, s15, s6, $0xb8;
	[tilespmem:$0x10400] =	vst v63  }
0x17: {  	s17 =	simm.s32 $0x300;
	s18 =	simm.s32 $0xC400  }
0x18: {  	[tilespmem:s18], [sflag:$0x1] =	stream.indirect.gather [hbm4b:s5+s6], $0x40, s17, s6, $0xb8;
	[tilespmem:$0x10400] =	vst v63  }
0x19: {  	s19 =	simm.s32 $0x380;
	s20 =	simm.s32 $0xE400;
	s21 =	simm.s32 $0x1  }
0x1a: {  	[tilespmem:s20], [sflag:$0x1] =	stream.indirect.gather [hbm4b:s5+s6], $0x40, s19, s6, $0xb8;
	[tilespmem:$0x10400] =	vst v63  }
0x1b: {  	_ =	swait.ge [sflag:s21], $0x2000  }
0x1c: {  	[sflag:s21] =	ssyncset.done $0x0  }
0x1d: {  	[sflag:s21] =	ssyncadd.s32 $0xFFFFE000  }
0x1e: {  	_ =	swait.ge [sflag:s21], $0x2000  }
0x1f: {  	[sflag:s21] =	ssyncset.done $0x0  }
0x20: {  	[sflag:s21] =	ssyncadd.s32 $0xFFFFE000  }
0x21: {  	_ =	swait.ge [sflag:s21], $0x2000  }
0x22: {  	[sflag:s21] =	ssyncset.done $0x0  }
0x23: {  	[sflag:s21] =	ssyncadd.s32 $0xFFFFE000  }
0x24: {  	_ =	swait.ge [sflag:s21], $0x2000  }
0x25: {  	[sflag:s21] =	ssyncset.done $0x0  }
0x26: {  	[sflag:s21] =	ssyncadd.s32 $0xFFFFE000  }
0x27: {  	_ =	swait.ge [sflag:s21], $0x2000  }
0x28: {  	[sflag:s21] =	ssyncset.done $0x0  }
0x29: {  	[sflag:s21] =	ssyncadd.s32 $0xFFFFE000  }
0x2a: {  	_ =	swait.ge [sflag:s21], $0x2000  }
0x2b: {  	[sflag:s21] =	ssyncset.done $0x0  }
0x2c: {  	s23 =	ssub.s32 $0x2, s23;
	[sflag:s21] =	ssyncadd.s32 $0xFFFFE000  }
0x2d: {  	s25 =	sshrl.u32 s23, $0x1;
	_ =	swait.ge [sflag:s21], $0x2000  }
0x2e: {  	s23 =	ssub.s32 s23, s25;
	[sflag:s21] =	ssyncset.done $0x0  }
0x2f: {  	s23 =	smax.u32 s23, $0x1;
	[sflag:s21] =	ssyncadd.s32 $0xFFFFE000  }
0x30: {  	p0 =	sne.s32 s23, $0x1;
	_ =	swait.ge [sflag:s21], $0x2000  }
.Ltmp0:
0x31: {  	s24 =	sshll.u32 s24, $0xA;
	[sflag:s21] =	ssyncset.done $0x0;
	(pc) =	sbr.rel @!p0 .LBB2_2-.Ltmp0, $4  }
0x32: {  	s22 =	sadd.s32 s22, s24;
	[sflag:s21] =	ssyncadd.s32 $0xFFFFE000  }
0x33: {  	[hbm4b:s22+s2] =	stream.linear.scatter [tilespmem:s7], [sflag:$0x2], $0x10000, $0x38;
	[tilespmem:$0x10400] =	vst v63  }
0x34: {  	_ =	swait.ge [sflag:s3], $0x10000  }
0x35: {  	s23 =	sadd.s32 $0xFFFFFFFF, s23;
	[sflag:s3] =	ssyncset.done $0x0  }
.LBB2_1:
0x36: {  	p0 =	sne.s32 s23, $0x1;
	s23 =	sadd.s32 $0xFFFFFFFF, s23;
	[sflag:s3] =	ssyncadd.s32 $0xFFFF0000  }
0x37: {  	[tilespmem:s2], [sflag:$0x2] =	stream.linear.gather [hbm4b:s4+s2], $0x400, $0x38;
	[tilespmem:$0x10400] =	vst v63  }
0x38: {  	_ =	swait.ge [sflag:s3], $0x400  }
0x39: {  	[sflag:s3] =	ssyncset.done $0x0  }
0x3a: {  	[sflag:s3] =	ssyncadd.s32 $0xFFFFFC00  }
0x3b: {  	[tilespmem:s7], [sflag:$0x1] =	stream.indirect.gather [hbm4b:s5+s6], $0x40, s2, s6, $0xb8;
	[tilespmem:$0x10400] =	vst v63  }
0x3c: {  	_ = 	snop  }
0x3d: {  	[tilespmem:s8], [sflag:$0x1] =	stream.indirect.gather [hbm4b:s5+s6], $0x40, s6, s6, $0xb8;
	[tilespmem:$0x10400] =	vst v63  }
0x3e: {  	_ = 	snop  }
0x3f: {  	[tilespmem:s10], [sflag:$0x1] =	stream.indirect.gather [hbm4b:s5+s6], $0x40, s9, s6, $0xb8;
	[tilespmem:$0x10400] =	vst v63  }
0x40: {  	_ = 	snop  }
0x41: {  	[tilespmem:s12], [sflag:$0x1] =	stream.indirect.gather [hbm4b:s5+s6], $0x40, s11, s6, $0xb8;
	[tilespmem:$0x10400] =	vst v63  }
0x42: {  	_ = 	snop  }
0x43: {  	[tilespmem:s14], [sflag:$0x1] =	stream.indirect.gather [hbm4b:s5+s6], $0x40, s13, s6, $0xb8;
	[tilespmem:$0x10400] =	vst v63  }
0x44: {  	_ = 	snop  }
0x45: {  	[tilespmem:s16], [sflag:$0x1] =	stream.indirect.gather [hbm4b:s5+s6], $0x40, s15, s6, $0xb8;
	[tilespmem:$0x10400] =	vst v63  }
0x46: {  	_ = 	snop  }
0x47: {  	[tilespmem:s18], [sflag:$0x1] =	stream.indirect.gather [hbm4b:s5+s6], $0x40, s17, s6, $0xb8;
	[tilespmem:$0x10400] =	vst v63  }
0x48: {  	_ = 	snop  }
0x49: {  	[tilespmem:s20], [sflag:$0x1] =	stream.indirect.gather [hbm4b:s5+s6], $0x40, s19, s6, $0xb8;
	[tilespmem:$0x10400] =	vst v63  }
0x4a: {  	_ =	swait.ge [sflag:s21], $0x2000  }
0x4b: {  	[sflag:s21] =	ssyncset.done $0x0  }
0x4c: {  	[sflag:s21] =	ssyncadd.s32 $0xFFFFE000  }
0x4d: {  	_ =	swait.ge [sflag:s21], $0x2000  }
0x4e: {  	[sflag:s21] =	ssyncset.done $0x0  }
0x4f: {  	[sflag:s21] =	ssyncadd.s32 $0xFFFFE000  }
0x50: {  	_ =	swait.ge [sflag:s21], $0x2000  }
0x51: {  	[sflag:s21] =	ssyncset.done $0x0  }
0x52: {  	[sflag:s21] =	ssyncadd.s32 $0xFFFFE000  }
0x53: {  	_ =	swait.ge [sflag:s21], $0x2000  }
0x54: {  	[sflag:s21] =	ssyncset.done $0x0  }
0x55: {  	[sflag:s21] =	ssyncadd.s32 $0xFFFFE000  }
0x56: {  	_ =	swait.ge [sflag:s21], $0x2000  }
0x57: {  	[sflag:s21] =	ssyncset.done $0x0  }
0x58: {  	[sflag:s21] =	ssyncadd.s32 $0xFFFFE000  }
0x59: {  	_ =	swait.ge [sflag:s21], $0x2000  }
0x5a: {  	[sflag:s21] =	ssyncset.done $0x0  }
0x5b: {  	[sflag:s21] =	ssyncadd.s32 $0xFFFFE000  }
0x5c: {  	_ =	swait.ge [sflag:s21], $0x2000  }
0x5d: {  	[sflag:s21] =	ssyncset.done $0x0  }
0x5e: {  	[sflag:s21] =	ssyncadd.s32 $0xFFFFE000  }
0x5f: {  	_ =	swait.ge [sflag:s21], $0x2000  }
.Ltmp1:
0x60: {  	[sflag:s21] =	ssyncset.done $0x0;
	(pc) =	sbr.rel @p0 .LBB2_1-.Ltmp1, $4  }
0x61: {  	[sflag:s21] =	ssyncadd.s32 $0xFFFFE000  }
0x62: {  	[hbm4b:s22+s2] =	stream.linear.scatter [tilespmem:s7], [sflag:$0x2], $0x10000, $0x38;
	[tilespmem:$0x10400] =	vst v63  }
0x63: {  	_ =	swait.ge [sflag:s3], $0x10000  }
0x64: {  	[sflag:s3] =	ssyncset.done $0x0  }
.LBB2_2:
0x65: {  	[sflag:s3] =	ssyncadd.s32 $0xFFFF0000  }
0x66: {  	_ =	sfence.sel $0x180000  }
0x67: {  	[bflag:$0x0] =	sbarrier.arrive $0xFFFF  }
0x68: {  	p0 =	sne.s32 s0, $0x0;
	_ =	strace $0x90000047  }
0x69: {  	s0 =	sadd.s32 @!p0 $0x100000, s1;
	[bflag:$0x2] =	sbarrier.arrive $0xFFFF  }
0x6a: {  	[sflag:s0] =	ssyncadd.tile.s32 @!p0 $0x1;
	_ =	shalt  }
.Lfunc_end2:
_tile_overlayer_lowered:
.L_overlay_start_2:
0x6b: {  	(tag) =	ssettag $0x2  }
0x6c: {  	s0 =	rddreg [dreg:$0x0];
	s2 =	stileid.u32  }
0x6d: {  	s1 =	rddreg [dreg:$0x1];
	p0 =	sne.s32 s2, $0x0  }
0x6e: {  	s3 =	rddreg [dreg:$0x2];
	[bflag:$0x3] =	sbarrier.arrive $0xFFFF;
	s2 =	simm.s32 @!p0 $0x1C02  }
0x6f: {  	[timem:s3], [sflag:s2] =	dma.local @!p0 [hbm:s0], s1  }
0x70: {  	s0 =	simm.s32 @!p0 $0x2  }
0x71: {  	_ =	swait.ge @!p0 [sflag:s0], s1  }
0x72: {  	s1 =	ssub.s32 @!p0 $0x0, s1;
	[sflag:s0] =	ssyncset.done @!p0 $0x0  }
0x73: {  	[sflag:s0] =	ssyncadd.s32 @!p0 s1  }
0x74: {  	[bflag:$0x3] =	sbarrier.arrive $0xFFFF  }
0x75: {  	_ =	shalt  }

</sc_bundles>
